<compile_context>
chip_gen: v7x
topology: tpu7x:2x2x1
jax: 0.10.2.dev20260603
libtpu: 0.0.44.dev20260713+nightly
codegen_flags: <defaults>
</compile_context>

<pallas_src>
import functools

import jax
import jax.numpy as jnp
import numpy as np
from jax import lax
from jax.experimental import pallas as pl
from jax.experimental.pallas import tpu as pltpu
from jax.experimental.pallas import tpu_sc as plsc

B = 16
N = 2048
S = 512
K = 32
CIN = 128
DTAB = 256
R2 = np.float32(0.2 ** 2)
F32 = jnp.float32
HI = jax.lax.Precision.HIGHEST


def _fps_kernel(xyz_ref, out_ref):
    xq = xyz_ref[0]
    yq = xyz_ref[1]
    zq = xyz_ref[2]
    iota_n = lax.broadcasted_iota(jnp.int32, (B, N), 1).astype(F32)
    iota_s = lax.broadcasted_iota(jnp.int32, (B, S), 1).astype(F32)

    def body(i, carry):
        dist, far, ax, ay, az = carry
        sel = iota_n == far
        cx = jnp.sum(jnp.where(sel, xq, 0.0), axis=1, keepdims=True)
        cy = jnp.sum(jnp.where(sel, yq, 0.0), axis=1, keepdims=True)
        cz = jnp.sum(jnp.where(sel, zq, 0.0), axis=1, keepdims=True)
        i_f = i.astype(F32)
        ax = jnp.where(iota_s == i_f, cx, ax)
        ay = jnp.where(iota_s == i_f, cy, ay)
        az = jnp.where(iota_s == i_f, cz, az)
        dx = xq - cx
        dy = yq - cy
        dz = zq - cz
        d = dx * dx + dy * dy + dz * dz
        dist = jnp.minimum(dist, d)
        m = jnp.max(dist, axis=1, keepdims=True)
        far = jnp.min(jnp.where(dist == m, iota_n, float(N)), axis=1,
                      keepdims=True)
        return dist, far, ax, ay, az

    dist0 = jnp.full((B, N), 1e10, dtype=F32)
    far0 = jnp.zeros((B, 1), dtype=F32)
    acc0 = jnp.zeros((B, S), dtype=F32)
    _, _, ax, ay, az = lax.fori_loop(0, S, body,
                                     (dist0, far0, acc0, acc0, acc0))
    out_ref[0] = ax
    out_ref[1] = ay
    out_ref[2] = az


def _fps_call(xyz_t):
    return pl.pallas_call(
        _fps_kernel,
        out_shape=jax.ShapeDtypeStruct((3, B, S), F32),
    )(xyz_t)


S_BLK = 128
_CHUNK = 256


def _bq_kernel(xyz_ref, nxyz_ref, out_ref):
    b = pl.program_id(0)
    xq = xyz_ref[0, 0:1, :]
    yq = xyz_ref[0, 1:2, :]
    zq = xyz_ref[0, 2:3, :]
    nb = nxyz_ref[0]
    ax = nb[:, 0:1]
    ay = nb[:, 1:2]
    az = nb[:, 2:3]
    dot = lax.dot_general(nb.astype(jnp.bfloat16),
                          xyz_ref[0].astype(jnp.bfloat16),
                          (((1,), (0,)), ((), ())),
                          preferred_element_type=F32)
    ns = ax * ax + ay * ay + az * az
    nx = xq * xq + yq * yq + zq * zq
    sqr = (ns + nx) - 2.0 * dot
    mask = jnp.where(sqr <= R2, 1.0, 0.0)

    nch = N // _CHUNK
    tri = (lax.broadcasted_iota(jnp.int32, (_CHUNK, _CHUNK), 0)
           <= lax.broadcasted_iota(jnp.int32, (_CHUNK, _CHUNK), 1))
    lcnt = lax.dot_general(
        mask.reshape(S_BLK * nch, _CHUNK).astype(jnp.bfloat16),
        tri.astype(jnp.bfloat16), (((1,), (0,)), ((), ())),
        preferred_element_type=F32).reshape(S_BLK, nch, _CHUNK)
    ctot = lcnt[:, :, _CHUNK - 1:_CHUNK].reshape(S_BLK, nch)
    csum = ctot
    sh = 1
    while sh < nch:
        rolled = jnp.roll(csum, sh, axis=1)
        lanec = lax.broadcasted_iota(jnp.int32, (S_BLK, nch), 1)
        csum = csum + jnp.where(lanec >= sh, rolled, 0.0)
        sh *= 2
    off = (csum - ctot).reshape(S_BLK, nch, 1)
    cnt = (lcnt + off).reshape(S_BLK, N)

    total = cnt[:, N - 1:N]
    capped = jnp.minimum(cnt, 32.0)
    kv = lax.broadcasted_iota(jnp.int32, (1, K, 1), 1).astype(F32)
    acc = jnp.zeros((S_BLK, K), dtype=F32)
    for c in range(N // _CHUNK):
        sub = capped[:, c * _CHUNK:(c + 1) * _CHUNK]
        cmp = jnp.where(sub[:, None, :] <= kv, 1.0, 0.0)
        acc = acc + jnp.sum(cmp, axis=2)
    krow = lax.broadcasted_iota(jnp.int32, (S_BLK, K), 1).astype(F32)
    first = acc[:, 0:1]
    idx = jnp.where(krow < total, acc, first)
    gidx = idx + b.astype(F32) * float(N)
    out_ref[0] = gidx.astype(jnp.int32)


def _bq_call(xyz_bt, new_xyz):
    nb = xyz_bt.shape[0]
    return pl.pallas_call(
        _bq_kernel,
        grid=(nb, S // S_BLK),
        in_specs=[
            pl.BlockSpec((1, 3, N), lambda b, s: (b, 0, 0)),
            pl.BlockSpec((1, S_BLK, 3), lambda b, s: (b, s, 0)),
        ],
        out_specs=pl.BlockSpec((1, S_BLK, K), lambda b, s: (b, s, 0)),
        out_shape=jax.ShapeDtypeStruct((nb, S, K), jnp.int32),
        compiler_params=pltpu.CompilerParams(
            dimension_semantics=("arbitrary", "arbitrary")),
    )(xyz_bt, new_xyz)


_GROWS = B * S * K
_GCH = 128


def _gather_sc(table_hbm, gidx_hbm, out_hbm, idx_v, rows0, rows1, sem0, sem1,
               *, rows_per_worker, n_chunks):
    wid = lax.axis_index("s") * 2 + lax.axis_index("c")
    base = wid * rows_per_worker
    pltpu.sync_copy(gidx_hbm.at[pl.ds(base, rows_per_worker)], idx_v)
    bufs = (rows0, rows1)
    sems = (sem0, sem1)
    pltpu.async_copy(table_hbm.at[idx_v.at[pl.ds(0, _GCH)]], rows0, sem0)

    def pair(p, _):
        for ph in range(2):
            j = p * 2 + ph
            buf = bufs[ph]
            pltpu.make_async_copy(table_hbm.at[idx_v.at[pl.ds(0, _GCH)]],
                                  buf, sems[ph]).wait()

            @pl.when(j + 1 < n_chunks)
            def _():
                nxt = (j + 1) * _GCH
                pltpu.async_copy(
                    table_hbm.at[idx_v.at[pl.ds(nxt, _GCH)]],
                    bufs[1 - ph], sems[1 - ph])

            pltpu.sync_copy(buf, out_hbm.at[pl.ds(base + j * _GCH, _GCH)])
        return 0

    lax.fori_loop(0, n_chunks // 2, pair, 0)


def _gather_call(table, gidx):
    info = plsc.get_sparse_core_info()
    nw = info.num_cores * info.num_subcores
    nrows = gidx.shape[0]
    rows_per_worker = nrows // nw
    n_chunks = rows_per_worker // _GCH
    mesh = plsc.VectorSubcoreMesh(core_axis_name="c", subcore_axis_name="s")
    f = functools.partial(_gather_sc, rows_per_worker=rows_per_worker,
                          n_chunks=n_chunks)
    return pl.kernel(
        f,
        mesh=mesh,
        out_type=jax.ShapeDtypeStruct((nrows, DTAB), F32),
        scratch_types=[
            pltpu.VMEM((rows_per_worker,), jnp.int32),
            pltpu.VMEM((_GCH, DTAB), F32),
            pltpu.VMEM((_GCH, DTAB), F32),
            pltpu.SemaphoreType.DMA,
            pltpu.SemaphoreType.DMA,
        ],
    )(table, gidx)


LT = 4096
NTILES = (B * S * K) // LT
TPB = (S * K) // LT
NTOT = float(B * S * K)


_SQRT_HALF = np.float32(1.0 / np.sqrt(2.0))


def _gelu(x):
    return 0.5 * x * (1.0 + lax.erf(x * _SQRT_HALF))


def _tbias(te_ref, tw_ref, tb_ref):
    t_act = _gelu(te_ref[0])
    return lax.dot_general(t_act, tw_ref[...],
                           (((1,), (1,)), ((), ()))) + tb_ref[...]


def _bn_apply(x, st_ref, g_ref, b_ref):
    mu = st_ref[0:1, :] * (1.0 / NTOT)
    ex2 = st_ref[1:2, :] * (1.0 / NTOT)
    var = ex2 - mu * mu
    denom = jnp.sqrt(var + 1e-5)
    return ((x - mu) / denom) * g_ref[...] + b_ref[...]


def _acc_stats(st_ref, y):
    @pl.when((pl.program_id(0) == 0) & (pl.program_id(1) == 0))
    def _():
        st_ref[...] = jnp.zeros_like(st_ref)

    st_ref[0:1, :] += jnp.sum(y, axis=0, keepdims=True)
    st_ref[1:2, :] += jnp.sum(y * y, axis=0, keepdims=True)


def _conv1_kernel(g_ref, nx_ref, te_ref, tw_ref, tb_ref, w_ref,
                  y_ref, st_ref):
    feat = g_ref[...]
    w = w_ref[...]
    y = lax.dot_general(feat, w, (((1,), (1,)), ((), ())))
    wxyz = w[:, 0:3]
    corr = lax.dot_general(nx_ref[0], wxyz, (((1,), (1,)), ((), ())),
                           precision=HI)
    y = (y.reshape(LT // K, K, 128) - corr[:, None, :]).reshape(LT, 128)
    y = y + _tbias(te_ref, tw_ref, tb_ref)
    _acc_stats(st_ref, y)
    y_ref[0] = y


def _convn_kernel(x_ref, stp_ref, g_ref, b_ref, te_ref, tw_ref, tb_ref,
                  w_ref, y_ref, st_ref):
    x = _gelu(_bn_apply(x_ref[0], stp_ref, g_ref, b_ref))
    y = lax.dot_general(x, w_ref[...], (((1,), (1,)), ((), ())))
    y = y + _tbias(te_ref, tw_ref, tb_ref)
    _acc_stats(st_ref, y)
    y_ref[0] = y


def _pool_kernel(x_ref, stp_ref, g_ref, b_ref, out_ref):
    x = _gelu(_bn_apply(x_ref[0], stp_ref, g_ref, b_ref))
    out_ref[0] = jnp.max(x.reshape(LT // K, K, 256), axis=1)


def _row_spec(c):
    return pl.BlockSpec((1, LT, c), lambda b, l: (b, l, 0))


def _full_spec(shape):
    nd = len(shape)
    return pl.BlockSpec(shape, lambda b, l: (0,) * nd)


def _te_spec():
    return pl.BlockSpec((1, 1, 256), lambda b, l: (b, 0, 0))


def _params(outs=1):
    sem = ("arbitrary", "arbitrary")
    return dict(compiler_params=pltpu.CompilerParams(
        dimension_semantics=sem))


def _conv1_call(gathered, new_xyz, te, tw, tb, w):
    nb = new_xyz.shape[0]
    return pl.pallas_call(
        _conv1_kernel,
        grid=(nb, TPB),
        in_specs=[
            pl.BlockSpec((LT, DTAB), lambda b, l: (b * TPB + l, 0)),
            pl.BlockSpec((1, LT // K, 3), lambda b, l: (b, l, 0)),
            _te_spec(),
            _full_spec((128, 256)),
            _full_spec((1, 128)),
            _full_spec((128, DTAB)),
        ],
        out_specs=[_row_spec(128), _full_spec((2, 128))],
        out_shape=[
            jax.ShapeDtypeStruct((nb, S * K, 128), F32),
            jax.ShapeDtypeStruct((2, 128), F32),
        ],
        **_params(),
    )(gathered, new_xyz, te, tw, tb, w)


def _convn_call(kfn, x, stp, g, bb, te, tw, tb, w, oc):
    cin = x.shape[-1]
    nb = x.shape[0]
    return pl.pallas_call(
        kfn,
        grid=(nb, TPB),
        in_specs=[
            _row_spec(cin),
            _full_spec((2, cin)),
            _full_spec((1, cin)),
            _full_spec((1, cin)),
            _te_spec(),
            _full_spec((oc, 256)),
            _full_spec((1, oc)),
            _full_spec((oc, cin)),
        ],
        out_specs=[_row_spec(oc), _full_spec((2, oc))],
        out_shape=[
            jax.ShapeDtypeStruct((nb, S * K, oc), F32),
            jax.ShapeDtypeStruct((2, oc), F32),
        ],
        **_params(),
    )(x, stp, g, bb, te, tw, tb, w)


def _pool_call(x, stp, g, bb):
    nb = x.shape[0]
    return pl.pallas_call(
        _pool_kernel,
        grid=(nb, TPB),
        in_specs=[
            _row_spec(256),
            _full_spec((2, 256)),
            _full_spec((1, 256)),
            _full_spec((1, 256)),
        ],
        out_specs=pl.BlockSpec((1, LT // K, 256), lambda b, l: (b, l, 0)),
        out_shape=jax.ShapeDtypeStruct((nb, S, 256), F32),
        **_params(),
    )(x, stp, g, bb)


def kernel(xyz, points, t_embed, conv_w_0, time_w_0, time_b_0, bn_g_0,
           bn_b_0, conv_w_1, time_w_1, time_b_1, bn_g_1, bn_b_1, conv_w_2,
           time_w_2, time_b_2, bn_g_2, bn_b_2):
    xyz_t = jnp.transpose(xyz, (2, 0, 1))
    nx3 = _fps_call(xyz_t)
    new_xyz = jnp.transpose(nx3, (1, 2, 0))

    xyz_bt = jnp.transpose(xyz, (0, 2, 1))
    pts_t = jnp.transpose(points, (0, 2, 1))
    table = jnp.concatenate(
        [xyz, pts_t, jnp.zeros((B, N, DTAB - 3 - CIN), F32)],
        axis=-1).reshape(B * N, DTAB)

    te = t_embed.reshape(B, 1, 256)
    w1 = jnp.concatenate([conv_w_0, jnp.zeros((128, DTAB - 131), F32)], 1)
    tb1 = time_b_0.reshape(1, 128)

    HB = B // 2
    y1s, st1s = [], []
    gathered_h, nxh = [], []
    for h in (0, 1):
        sl = slice(h * HB, (h + 1) * HB)
        gidx = _bq_call(xyz_bt[sl], new_xyz[sl]) + jnp.int32(h * HB * N)
        gathered_h.append(_gather_call(table, gidx.reshape(HB * S * K)))
        nxh.append(new_xyz[sl])
    for h in (0, 1):
        sl = slice(h * HB, (h + 1) * HB)
        y1, st1 = _conv1_call(gathered_h[h], nxh[h], te[sl], time_w_0, tb1, w1)
        y1s.append(y1)
        st1s.append(st1)
    st1 = st1s[0] + st1s[1]

    def layer(kfn, ys, stp, g, bb, tw, tb, w, oc):
        outs, sts = [], []
        for h in (0, 1):
            sl = slice(h * HB, (h + 1) * HB)
            y, st = _convn_call(kfn, ys[h], stp, g, bb, te[sl], tw, tb, w, oc)
            outs.append(y)
            sts.append(st)
        return outs, sts[0] + sts[1]

    y2s, st2 = layer(_convn_kernel, y1s, st1, bn_g_0.reshape(1, 128),
                     bn_b_0.reshape(1, 128), time_w_1,
                     time_b_1.reshape(1, 128), conv_w_1, 128)
    y3s, st3 = layer(_convn_kernel, y2s, st2, bn_g_1.reshape(1, 128),
                     bn_b_1.reshape(1, 128), time_w_2,
                     time_b_2.reshape(1, 256), conv_w_2, 256)
    pooled = jnp.concatenate(
        [_pool_call(y3s[h], st3, bn_g_2.reshape(1, 256),
                    bn_b_2.reshape(1, 256)) for h in (0, 1)], axis=0)
    new_points = jnp.transpose(pooled, (0, 2, 1))
    return new_xyz, new_points

# --- scband reference (transcript-rebuilt; emitter-appended) ---
"""Pipeline reference for scband-point-net-set-abstraction-30683246363223 (READ-ONLY COPY).

The authoritative reference and input builder live on the scoring server;
editing this copy changes nothing except your own understanding.
"""

import jax, jax.numpy as jnp
import numpy as np

B = 16
N = 2048
NPOINT = 512
RADIUS = 0.2
NSAMPLE = 32
IN_CHANNEL = 128
MLP = [128, 128, 256]
TIME_EMBED_DIM = 256


def farthest_point_sample(xyz, npoint):
    Bb, Nn, _ = xyz.shape
    distance = jnp.full((Bb, Nn), 1e10, dtype=xyz.dtype)
    farthest = jnp.zeros((Bb,), dtype=jnp.int32)
    centroids = jnp.zeros((Bb, npoint), dtype=jnp.int32)
    batch_idx = jnp.arange(Bb)

    def body(i, carry):
        centroids, distance, farthest = carry
        centroids = centroids.at[:, i].set(farthest)
        centroid = xyz[batch_idx, farthest][:, None, :]
        dist = jnp.sum((xyz - centroid) ** 2, -1)
        distance = jnp.minimum(distance, dist)
        farthest = jnp.argmax(distance, -1).astype(jnp.int32)
        return (centroids, distance, farthest)

    centroids, _, _ = jax.lax.fori_loop(0, npoint, body, (centroids, distance, farthest))
    return centroids


def index_points(points, idx):
    Bb = points.shape[0]
    batch_indices = jnp.arange(Bb).reshape((Bb,) + (1,) * (idx.ndim - 1))
    return points[batch_indices, idx]


def query_ball_point(radius, nsample, xyz, new_xyz):
    Bb, Nn, _ = xyz.shape
    S = new_xyz.shape[1]
    sqrdists = (jnp.sum(new_xyz ** 2, -1)[:, :, None] + jnp.sum(xyz ** 2, -1)[:, None, :] - 2.0 * jnp.einsum('bsc,bnc->bsn', new_xyz, xyz))
    group_idx = jnp.broadcast_to(jnp.arange(Nn)[None, None, :], (Bb, S, Nn))
    group_idx = jnp.where(sqrdists > radius ** 2, Nn, group_idx)
    group_idx = jnp.sort(group_idx, axis=-1)[:, :, :nsample]
    group_first = jnp.broadcast_to(group_idx[:, :, 0:1], group_idx.shape)
    group_idx = jnp.where(group_idx == Nn, group_first, group_idx)
    return group_idx


def cond_conv(x, t_embed, conv_w, time_w, time_b, bn_g, bn_b):
    y = jnp.einsum('bcl,oc->bol', x, conv_w)
    t = jax.nn.gelu(t_embed, approximate=False) @ time_w.T + time_b
    y = y + t[:, :, None]
    mean = jnp.mean(y, axis=(0, 2), keepdims=True)
    var = jnp.var(y, axis=(0, 2), keepdims=True)
    y = (y - mean) / jnp.sqrt(var + 1e-5)
    y = y * bn_g[None, :, None] + bn_b[None, :, None]
    return jax.nn.gelu(y, approximate=False)


def _forward(xyz, points, t_embed, layer_params):
    xyz_c = jax.lax.stop_gradient(xyz)
    fps_idx = farthest_point_sample(xyz_c, NPOINT)
    new_xyz = index_points(xyz, fps_idx)
    idx = query_ball_point(RADIUS, NSAMPLE, xyz_c, jax.lax.stop_gradient(new_xyz))
    grouped_xyz = index_points(xyz, idx)
    grouped_xyz_norm = grouped_xyz - new_xyz[:, :, None, :]
    grouped_points = index_points(jnp.transpose(points, (0, 2, 1)), idx)
    new_points = jnp.concatenate([grouped_xyz_norm, grouped_points], axis=-1)
    new_points = jnp.transpose(new_points, (0, 3, 1, 2))
    for (cw, tw, tb, bg, bb) in layer_params:
        Bb, C, S, K = new_points.shape
        flat = new_points.reshape(Bb, C, S * K)
        out = cond_conv(flat, t_embed, cw, tw, tb, bg, bb)
        new_points = out.reshape(Bb, -1, S, K)
    new_points = jnp.max(new_points, axis=3)
    return (new_xyz, new_points)


def setup_inputs(seed: int = 0):
    key = jax.random.key(seed)
    ks = jax.random.split(key, 16)
    inp = {}
    inp['xyz'] = jax.random.uniform(ks[0], (B, N, 3), dtype=jnp.float32)
    inp['points'] = jax.random.normal(ks[1], (B, IN_CHANNEL, N), dtype=jnp.float32)
    inp['t_embed'] = jax.random.normal(ks[2], (B, TIME_EMBED_DIM), dtype=jnp.float32)
    last = IN_CHANNEL + 3
    ki = 3
    for i, oc in enumerate(MLP):
        inp['conv_w_%d' % i] = jax.random.normal(ks[ki], (oc, last), dtype=jnp.float32) / np.sqrt(last)
        ki += 1
        inp['time_w_%d' % i] = jax.random.normal(ks[ki], (oc, TIME_EMBED_DIM), dtype=jnp.float32) / np.sqrt(TIME_EMBED_DIM)
        ki += 1
        inp['time_b_%d' % i] = jnp.zeros((oc,), dtype=jnp.float32)
        inp['bn_g_%d' % i] = jnp.ones((oc,), dtype=jnp.float32)
        inp['bn_b_%d' % i] = jnp.zeros((oc,), dtype=jnp.float32)
        last = oc
    return inp


def reference(xyz, points, t_embed, conv_w_0, time_w_0, time_b_0, bn_g_0, bn_b_0, conv_w_1, time_w_1, time_b_1, bn_g_1, bn_b_1, conv_w_2, time_w_2, time_b_2, bn_g_2, bn_b_2):
    layer_params = [(conv_w_0, time_w_0, time_b_0, bn_g_0, bn_b_0), (conv_w_1, time_w_1, time_b_1, bn_g_1, bn_b_1), (conv_w_2, time_w_2, time_b_2, bn_g_2, bn_b_2)]
    return _forward(xyz, points, t_embed, layer_params)

if __name__ == "__main__":
    import jax
    _d = setup_inputs()
    print(jax.jit(kernel)(*tuple(_d.values())))

</pallas_src>

<mosaic_0001>
#map = affine_map<(d0, d1) -> (0, 0)>
#map1 = affine_map<(d0, d1) -> (0)>
module attributes {stable_mosaic.version = 14 : i64} {
  func.func @_gather_sc(%arg0: i32, %arg1: i32, %arg2: memref<32768x256xf32, #tpu.memory_space<hbm>>, %arg3: memref<131072xi32, #tpu.memory_space<hbm>>, %arg4: memref<131072x256xf32, #tpu.memory_space<hbm>>, %arg5: memref<4096xi32, #tpu.memory_space<vmem>>, %arg6: memref<128x256xf32, #tpu.memory_space<vmem>>, %arg7: memref<128x256xf32, #tpu.memory_space<vmem>>, %arg8: memref<!tpu.dma_semaphore, #tpu.memory_space<semaphore_mem>>, %arg9: memref<!tpu.dma_semaphore, #tpu.memory_space<semaphore_mem>>) attributes {dimension_semantics = [#tpu.dimension_semantics<core_parallel>, #tpu.dimension_semantics<subcore_parallel>], iteration_bounds = array<i64: 2, 16>, scalar_prefetch = 0 : i64, scratch_operands = 5 : i64, tpu.core_type = #tpu.core_type<sc_vector_subcore>, window_params = [{transform_indices = #map}, {transform_indices = #map1}, {transform_indices = #map}]} {
    %mul3A = arith.constant 2 : i32
    %mul3A_0 = arith.muli %arg1, %mul3A : i32
    %add3A = arith.addi %mul3A_0, %arg0 : i32
    %mul3A_1 = arith.constant 4096 : i32
    %mul3A_2 = arith.muli %add3A, %mul3A_1 : i32
    "tpu.region"() ({
      %run_scoped3A = tpu.sem_alloc : memref<!tpu.dma_semaphore, #tpu.memory_space<semaphore_mem>>
      %dma_start3A_13 = tpu.memref_slice %arg3[%mul3A_2] : memref<131072xi32, #tpu.memory_space<hbm>> -> memref<4096xi32, #tpu.memory_space<hbm>>
      %dma_start3A_14 = tpu.memref_slice %arg3[%mul3A_2] : memref<131072xi32, #tpu.memory_space<hbm>> -> memref<4096xi32, #tpu.memory_space<hbm>>
      tpu.enqueue_dma source(%dma_start3A_14 : memref<4096xi32, #tpu.memory_space<hbm>>) target(%arg5 : memref<4096xi32, #tpu.memory_space<vmem>>) target_semaphore(%run_scoped3A : memref<!tpu.dma_semaphore, #tpu.memory_space<semaphore_mem>>)
      %dma_wait3A = tpu.memref_slice %arg3[%mul3A_2] : memref<131072xi32, #tpu.memory_space<hbm>> -> memref<4096xi32, #tpu.memory_space<hbm>>
      %dma_wait3A_15 = tpu.memref_slice %arg3[%mul3A_2] : memref<131072xi32, #tpu.memory_space<hbm>> -> memref<4096xi32, #tpu.memory_space<hbm>>
      tpu.wait_dma2 semaphore(%run_scoped3A : memref<!tpu.dma_semaphore, #tpu.memory_space<semaphore_mem>>) src(%dma_wait3A_15 : memref<4096xi32, #tpu.memory_space<hbm>>) dst(%arg5 : memref<4096xi32, #tpu.memory_space<vmem>>)
      tpu.yield
    }) : () -> ()
    %dma_start3A = arith.constant 0 : i32
    %dma_start3A_3 = tpu.memref_slice %arg5[%dma_start3A] : memref<4096xi32, #tpu.memory_space<vmem>> -> memref<128xi32, #tpu.memory_space<vmem>>
    %dma_start3A_4 = arith.constant 0 : i32
    %dma_start3A_5 = arith.constant 0 : i32
    %dma_start3A_6 = tpu.memref_slice %arg2[%dma_start3A_4, %dma_start3A_5] : memref<32768x256xf32, #tpu.memory_space<hbm>> -> memref<32768x256xf32, #tpu.memory_space<hbm>>
    tpu.enqueue_indirect_dma source(%dma_start3A_6 : memref<32768x256xf32, #tpu.memory_space<hbm>>) target(%arg6 : memref<128x256xf32, #tpu.memory_space<vmem>>) offsets(%dma_start3A_3 : memref<128xi32, #tpu.memory_space<vmem>>) semaphore(%arg8 : memref<!tpu.dma_semaphore, #tpu.memory_space<semaphore_mem>>)
    %scan3A = arith.constant 0 : i32
    %scan3A_7 = arith.constant 0 : i32
    %scan3A_8 = arith.constant 16 : i32
    %scan3A_9 = arith.addi %scan3A_7, %scan3A_8 : i32
    %scan3A_10 = arith.constant 1 : i32
    %scan3A_11 = scf.for %scan3A_13 = %scan3A_7 to %scan3A_9 step %scan3A_10 iter_args(%scan3A_14 = %scan3A) -> (i32)  : i32 {
      %mul3A_15 = arith.constant 2 : i32
      %mul3A_16 = arith.muli %scan3A_13, %mul3A_15 : i32
      %add3A_17 = arith.constant 0 : i32
      %add3A_18 = arith.addi %mul3A_16, %add3A_17 : i32
      %dma_wait3A = arith.constant 0 : i32
      %dma_wait3A_19 = tpu.memref_slice %arg5[%dma_wait3A] : memref<4096xi32, #tpu.memory_space<vmem>> -> memref<128xi32, #tpu.memory_space<vmem>>
      %dma_wait3A_20 = arith.constant 0 : i32
      %dma_wait3A_21 = arith.constant 0 : i32
      %dma_wait3A_22 = tpu.memref_slice %arg2[%dma_wait3A_20, %dma_wait3A_21] : memref<32768x256xf32, #tpu.memory_space<hbm>> -> memref<32768x256xf32, #tpu.memory_space<hbm>>
      tpu.wait_indirect_dma semaphore(%arg8 : memref<!tpu.dma_semaphore, #tpu.memory_space<semaphore_mem>>) src(%dma_wait3A_22 : memref<32768x256xf32, #tpu.memory_space<hbm>>) dst(%arg6 : memref<128x256xf32, #tpu.memory_space<vmem>>)
      %add3A_23 = arith.constant 1 : i32
      %add3A_24 = arith.addi %add3A_18, %add3A_23 : i32
      %lt3A = arith.constant 32 : i32
      %lt3A_25 = arith.cmpi slt, %add3A_24, %lt3A : i32
      %convert_element_type3A = arith.extui %lt3A_25 : i1 to i32
      %cond3A = arith.constant 0 : i32
      %cond3A_26 = arith.cmpi ne, %convert_element_type3A, %cond3A : i32
      scf.if %cond3A_26 {
        %add3A_50 = arith.constant 1 : i32
        %add3A_51 = arith.addi %add3A_18, %add3A_50 : i32
        %mul3A_52 = arith.constant 128 : i32
        %mul3A_53 = arith.muli %add3A_51, %mul3A_52 : i32
        %dma_start3A_54 = tpu.memref_slice %arg5[%mul3A_53] : memref<4096xi32, #tpu.memory_space<vmem>> -> memref<128xi32, #tpu.memory_space<vmem>>
        %dma_start3A_55 = arith.constant 0 : i32
        %dma_start3A_56 = arith.constant 0 : i32
        %dma_start3A_57 = tpu.memref_slice %arg2[%dma_start3A_55, %dma_start3A_56] : memref<32768x256xf32, #tpu.memory_space<hbm>> -> memref<32768x256xf32, #tpu.memory_space<hbm>>
        tpu.enqueue_indirect_dma source(%dma_start3A_57 : memref<32768x256xf32, #tpu.memory_space<hbm>>) target(%arg7 : memref<128x256xf32, #tpu.memory_space<vmem>>) offsets(%dma_start3A_54 : memref<128xi32, #tpu.memory_space<vmem>>) semaphore(%arg9 : memref<!tpu.dma_semaphore, #tpu.memory_space<semaphore_mem>>)
      } else {
      }
      %mul3A_27 = arith.constant 128 : i32
      %mul3A_28 = arith.muli %add3A_18, %mul3A_27 : i32
      %add3A_29 = arith.addi %mul3A_2, %mul3A_28 : i32
      "tpu.region"() ({
        %run_scoped3A = tpu.sem_alloc : memref<!tpu.dma_semaphore, #tpu.memory_space<semaphore_mem>>
        %dma_start3A_50 = arith.constant 0 : i32
        %dma_start3A_51 = tpu.memref_slice %arg4[%add3A_29, %dma_start3A_50] : memref<131072x256xf32, #tpu.memory_space<hbm>> -> memref<128x256xf32, #tpu.memory_space<hbm>>
        %dma_start3A_52 = arith.constant 0 : i32
        %dma_start3A_53 = tpu.memref_slice %arg4[%add3A_29, %dma_start3A_52] : memref<131072x256xf32, #tpu.memory_space<hbm>> -> memref<128x256xf32, #tpu.memory_space<hbm>>
        tpu.enqueue_dma source(%arg6 : memref<128x256xf32, #tpu.memory_space<vmem>>) target(%dma_start3A_53 : memref<128x256xf32, #tpu.memory_space<hbm>>) target_semaphore(%run_scoped3A : memref<!tpu.dma_semaphore, #tpu.memory_space<semaphore_mem>>)
        %dma_wait3A_54 = arith.constant 0 : i32
        %dma_wait3A_55 = tpu.memref_slice %arg4[%add3A_29, %dma_wait3A_54] : memref<131072x256xf32, #tpu.memory_space<hbm>> -> memref<128x256xf32, #tpu.memory_space<hbm>>
        %dma_wait3A_56 = arith.constant 0 : i32
        %dma_wait3A_57 = tpu.memref_slice %arg4[%add3A_29, %dma_wait3A_56] : memref<131072x256xf32, #tpu.memory_space<hbm>> -> memref<128x256xf32, #tpu.memory_space<hbm>>
        tpu.wait_dma2 semaphore(%run_scoped3A : memref<!tpu.dma_semaphore, #tpu.memory_space<semaphore_mem>>) src(%arg6 : memref<128x256xf32, #tpu.memory_space<vmem>>) dst(%dma_wait3A_57 : memref<128x256xf32, #tpu.memory_space<hbm>>)
        tpu.yield
      }) : () -> ()
      %mul3A_30 = arith.constant 2 : i32
      %mul3A_31 = arith.muli %scan3A_13, %mul3A_30 : i32
      %add3A_32 = arith.constant 1 : i32
      %add3A_33 = arith.addi %mul3A_31, %add3A_32 : i32
      %dma_wait3A_34 = arith.constant 0 : i32
      %dma_wait3A_35 = tpu.memref_slice %arg5[%dma_wait3A_34] : memref<4096xi32, #tpu.memory_space<vmem>> -> memref<128xi32, #tpu.memory_space<vmem>>
      %dma_wait3A_36 = arith.constant 0 : i32
      %dma_wait3A_37 = arith.constant 0 : i32
      %dma_wait3A_38 = tpu.memref_slice %arg2[%dma_wait3A_36, %dma_wait3A_37] : memref<32768x256xf32, #tpu.memory_space<hbm>> -> memref<32768x256xf32, #tpu.memory_space<hbm>>
      tpu.wait_indirect_dma semaphore(%arg9 : memref<!tpu.dma_semaphore, #tpu.memory_space<semaphore_mem>>) src(%dma_wait3A_38 : memref<32768x256xf32, #tpu.memory_space<hbm>>) dst(%arg7 : memref<128x256xf32, #tpu.memory_space<vmem>>)
      %add3A_39 = arith.constant 1 : i32
      %add3A_40 = arith.addi %add3A_33, %add3A_39 : i32
      %lt3A_41 = arith.constant 32 : i32
      %lt3A_42 = arith.cmpi slt, %add3A_40, %lt3A_41 : i32
      %convert_element_type3A_43 = arith.extui %lt3A_42 : i1 to i32
      %cond3A_44 = arith.constant 0 : i32
      %cond3A_45 = arith.cmpi ne, %convert_element_type3A_43, %cond3A_44 : i32
      scf.if %cond3A_45 {
        %add3A_50 = arith.constant 1 : i32
        %add3A_51 = arith.addi %add3A_33, %add3A_50 : i32
        %mul3A_52 = arith.constant 128 : i32
        %mul3A_53 = arith.muli %add3A_51, %mul3A_52 : i32
        %dma_start3A_54 = tpu.memref_slice %arg5[%mul3A_53] : memref<4096xi32, #tpu.memory_space<vmem>> -> memref<128xi32, #tpu.memory_space<vmem>>
        %dma_start3A_55 = arith.constant 0 : i32
        %dma_start3A_56 = arith.constant 0 : i32
        %dma_start3A_57 = tpu.memref_slice %arg2[%dma_start3A_55, %dma_start3A_56] : memref<32768x256xf32, #tpu.memory_space<hbm>> -> memref<32768x256xf32, #tpu.memory_space<hbm>>
        tpu.enqueue_indirect_dma source(%dma_start3A_57 : memref<32768x256xf32, #tpu.memory_space<hbm>>) target(%arg6 : memref<128x256xf32, #tpu.memory_space<vmem>>) offsets(%dma_start3A_54 : memref<128xi32, #tpu.memory_space<vmem>>) semaphore(%arg8 : memref<!tpu.dma_semaphore, #tpu.memory_space<semaphore_mem>>)
      } else {
      }
      %mul3A_46 = arith.constant 128 : i32
      %mul3A_47 = arith.muli %add3A_33, %mul3A_46 : i32
      %add3A_48 = arith.addi %mul3A_2, %mul3A_47 : i32
      "tpu.region"() ({
        %run_scoped3A = tpu.sem_alloc : memref<!tpu.dma_semaphore, #tpu.memory_space<semaphore_mem>>
        %dma_start3A_50 = arith.constant 0 : i32
        %dma_start3A_51 = tpu.memref_slice %arg4[%add3A_48, %dma_start3A_50] : memref<131072x256xf32, #tpu.memory_space<hbm>> -> memref<128x256xf32, #tpu.memory_space<hbm>>
        %dma_start3A_52 = arith.constant 0 : i32
        %dma_start3A_53 = tpu.memref_slice %arg4[%add3A_48, %dma_start3A_52] : memref<131072x256xf32, #tpu.memory_space<hbm>> -> memref<128x256xf32, #tpu.memory_space<hbm>>
        tpu.enqueue_dma source(%arg7 : memref<128x256xf32, #tpu.memory_space<vmem>>) target(%dma_start3A_53 : memref<128x256xf32, #tpu.memory_space<hbm>>) target_semaphore(%run_scoped3A : memref<!tpu.dma_semaphore, #tpu.memory_space<semaphore_mem>>)
        %dma_wait3A_54 = arith.constant 0 : i32
        %dma_wait3A_55 = tpu.memref_slice %arg4[%add3A_48, %dma_wait3A_54] : memref<131072x256xf32, #tpu.memory_space<hbm>> -> memref<128x256xf32, #tpu.memory_space<hbm>>
        %dma_wait3A_56 = arith.constant 0 : i32
        %dma_wait3A_57 = tpu.memref_slice %arg4[%add3A_48, %dma_wait3A_56] : memref<131072x256xf32, #tpu.memory_space<hbm>> -> memref<128x256xf32, #tpu.memory_space<hbm>>
        tpu.wait_dma2 semaphore(%run_scoped3A : memref<!tpu.dma_semaphore, #tpu.memory_space<semaphore_mem>>) src(%arg7 : memref<128x256xf32, #tpu.memory_space<vmem>>) dst(%dma_wait3A_57 : memref<128x256xf32, #tpu.memory_space<hbm>>)
        tpu.yield
      }) : () -> ()
      %scan3A_49 = arith.constant 0 : i32
      scf.yield %scan3A_49 : i32
    }
    %scan3A_12 = arith.constant 16 : i32
    return
  }
}

#map = affine_map<(d0, d1) -> (0, 0)>
#map1 = affine_map<(d0, d1) -> (0)>
module attributes {stable_mosaic.version = 14 : i64} {
  func.func @_gather_sc(%arg0: i32, %arg1: i32, %arg2: memref<32768x256xf32, #tpu.memory_space<hbm>>, %arg3: memref<131072xi32, #tpu.memory_space<hbm>>, %arg4: memref<131072x256xf32, #tpu.memory_space<hbm>>, %arg5: memref<4096xi32, #tpu.memory_space<vmem>>, %arg6: memref<128x256xf32, #tpu.memory_space<vmem>>, %arg7: memref<128x256xf32, #tpu.memory_space<vmem>>, %arg8: memref<!tpu.dma_semaphore, #tpu.memory_space<semaphore_mem>>, %arg9: memref<!tpu.dma_semaphore, #tpu.memory_space<semaphore_mem>>) attributes {dimension_semantics = [#tpu.dimension_semantics<core_parallel>, #tpu.dimension_semantics<subcore_parallel>], iteration_bounds = array<i64: 2, 16>, scalar_prefetch = 0 : i64, scratch_operands = 5 : i64, tpu.core_type = #tpu.core_type<sc_vector_subcore>, window_params = [{transform_indices = #map}, {transform_indices = #map1}, {transform_indices = #map}]} {
    %mul3A = arith.constant 2 : i32
    %mul3A_0 = arith.muli %arg1, %mul3A : i32
    %add3A = arith.addi %mul3A_0, %arg0 : i32
    %mul3A_1 = arith.constant 4096 : i32
    %mul3A_2 = arith.muli %add3A, %mul3A_1 : i32
    "tpu.region"() ({
      %run_scoped3A = tpu.sem_alloc : memref<!tpu.dma_semaphore, #tpu.memory_space<semaphore_mem>>
      %dma_start3A_13 = tpu.memref_slice %arg3[%mul3A_2] : memref<131072xi32, #tpu.memory_space<hbm>> -> memref<4096xi32, #tpu.memory_space<hbm>>
      %dma_start3A_14 = tpu.memref_slice %arg3[%mul3A_2] : memref<131072xi32, #tpu.memory_space<hbm>> -> memref<4096xi32, #tpu.memory_space<hbm>>
      tpu.enqueue_dma source(%dma_start3A_14 : memref<4096xi32, #tpu.memory_space<hbm>>) target(%arg5 : memref<4096xi32, #tpu.memory_space<vmem>>) target_semaphore(%run_scoped3A : memref<!tpu.dma_semaphore, #tpu.memory_space<semaphore_mem>>)
      %dma_wait3A = tpu.memref_slice %arg3[%mul3A_2] : memref<131072xi32, #tpu.memory_space<hbm>> -> memref<4096xi32, #tpu.memory_space<hbm>>
      %dma_wait3A_15 = tpu.memref_slice %arg3[%mul3A_2] : memref<131072xi32, #tpu.memory_space<hbm>> -> memref<4096xi32, #tpu.memory_space<hbm>>
      tpu.wait_dma2 semaphore(%run_scoped3A : memref<!tpu.dma_semaphore, #tpu.memory_space<semaphore_mem>>) src(%dma_wait3A_15 : memref<4096xi32, #tpu.memory_space<hbm>>) dst(%arg5 : memref<4096xi32, #tpu.memory_space<vmem>>)
      tpu.yield
    }) : () -> ()
    %dma_start3A = arith.constant 0 : i32
    %dma_start3A_3 = tpu.memref_slice %arg5[%dma_start3A] : memref<4096xi32, #tpu.memory_space<vmem>> -> memref<128xi32, #tpu.memory_space<vmem>>
    %dma_start3A_4 = arith.constant 0 : i32
    %dma_start3A_5 = arith.constant 0 : i32
    %dma_start3A_6 = tpu.memref_slice %arg2[%dma_start3A_4, %dma_start3A_5] : memref<32768x256xf32, #tpu.memory_space<hbm>> -> memref<32768x256xf32, #tpu.memory_space<hbm>>
    tpu.enqueue_indirect_dma source(%dma_start3A_6 : memref<32768x256xf32, #tpu.memory_space<hbm>>) target(%arg6 : memref<128x256xf32, #tpu.memory_space<vmem>>) offsets(%dma_start3A_3 : memref<128xi32, #tpu.memory_space<vmem>>) semaphore(%arg8 : memref<!tpu.dma_semaphore, #tpu.memory_space<semaphore_mem>>)
    %scan3A = arith.constant 0 : i32
    %scan3A_7 = arith.constant 0 : i32
    %scan3A_8 = arith.constant 16 : i32
    %scan3A_9 = arith.addi %scan3A_7, %scan3A_8 : i32
    %scan3A_10 = arith.constant 1 : i32
    %scan3A_11 = scf.for %scan3A_13 = %scan3A_7 to %scan3A_9 step %scan3A_10 iter_args(%scan3A_14 = %scan3A) -> (i32)  : i32 {
      %mul3A_15 = arith.constant 2 : i32
      %mul3A_16 = arith.muli %scan3A_13, %mul3A_15 : i32
      %add3A_17 = arith.constant 0 : i32
      %add3A_18 = arith.addi %mul3A_16, %add3A_17 : i32
      %dma_wait3A = arith.constant 0 : i32
      %dma_wait3A_19 = tpu.memref_slice %arg5[%dma_wait3A] : memref<4096xi32, #tpu.memory_space<vmem>> -> memref<128xi32, #tpu.memory_space<vmem>>
      %dma_wait3A_20 = arith.constant 0 : i32
      %dma_wait3A_21 = arith.constant 0 : i32
      %dma_wait3A_22 = tpu.memref_slice %arg2[%dma_wait3A_20, %dma_wait3A_21] : memref<32768x256xf32, #tpu.memory_space<hbm>> -> memref<32768x256xf32, #tpu.memory_space<hbm>>
      tpu.wait_indirect_dma semaphore(%arg8 : memref<!tpu.dma_semaphore, #tpu.memory_space<semaphore_mem>>) src(%dma_wait3A_22 : memref<32768x256xf32, #tpu.memory_space<hbm>>) dst(%arg6 : memref<128x256xf32, #tpu.memory_space<vmem>>)
      %add3A_23 = arith.constant 1 : i32
      %add3A_24 = arith.addi %add3A_18, %add3A_23 : i32
      %lt3A = arith.constant 32 : i32
      %lt3A_25 = arith.cmpi slt, %add3A_24, %lt3A : i32
      %convert_element_type3A = arith.extui %lt3A_25 : i1 to i32
      %cond3A = arith.constant 0 : i32
      %cond3A_26 = arith.cmpi ne, %convert_element_type3A, %cond3A : i32
      scf.if %cond3A_26 {
        %add3A_50 = arith.constant 1 : i32
        %add3A_51 = arith.addi %add3A_18, %add3A_50 : i32
        %mul3A_52 = arith.constant 128 : i32
        %mul3A_53 = arith.muli %add3A_51, %mul3A_52 : i32
        %dma_start3A_54 = tpu.memref_slice %arg5[%mul3A_53] : memref<4096xi32, #tpu.memory_space<vmem>> -> memref<128xi32, #tpu.memory_space<vmem>>
        %dma_start3A_55 = arith.constant 0 : i32
        %dma_start3A_56 = arith.constant 0 : i32
        %dma_start3A_57 = tpu.memref_slice %arg2[%dma_start3A_55, %dma_start3A_56] : memref<32768x256xf32, #tpu.memory_space<hbm>> -> memref<32768x256xf32, #tpu.memory_space<hbm>>
        tpu.enqueue_indirect_dma source(%dma_start3A_57 : memref<32768x256xf32, #tpu.memory_space<hbm>>) target(%arg7 : memref<128x256xf32, #tpu.memory_space<vmem>>) offsets(%dma_start3A_54 : memref<128xi32, #tpu.memory_space<vmem>>) semaphore(%arg9 : memref<!tpu.dma_semaphore, #tpu.memory_space<semaphore_mem>>)
      } else {
      }
      %mul3A_27 = arith.constant 128 : i32
      %mul3A_28 = arith.muli %add3A_18, %mul3A_27 : i32
      %add3A_29 = arith.addi %mul3A_2, %mul3A_28 : i32
      "tpu.region"() ({
        %run_scoped3A = tpu.sem_alloc : memref<!tpu.dma_semaphore, #tpu.memory_space<semaphore_mem>>
        %dma_start3A_50 = arith.constant 0 : i32
        %dma_start3A_51 = tpu.memref_slice %arg4[%add3A_29, %dma_start3A_50] : memref<131072x256xf32, #tpu.memory_space<hbm>> -> memref<128x256xf32, #tpu.memory_space<hbm>>
        %dma_start3A_52 = arith.constant 0 : i32
        %dma_start3A_53 = tpu.memref_slice %arg4[%add3A_29, %dma_start3A_52] : memref<131072x256xf32, #tpu.memory_space<hbm>> -> memref<128x256xf32, #tpu.memory_space<hbm>>
        tpu.enqueue_dma source(%arg6 : memref<128x256xf32, #tpu.memory_space<vmem>>) target(%dma_start3A_53 : memref<128x256xf32, #tpu.memory_space<hbm>>) target_semaphore(%run_scoped3A : memref<!tpu.dma_semaphore, #tpu.memory_space<semaphore_mem>>)
        %dma_wait3A_54 = arith.constant 0 : i32
        %dma_wait3A_55 = tpu.memref_slice %arg4[%add3A_29, %dma_wait3A_54] : memref<131072x256xf32, #tpu.memory_space<hbm>> -> memref<128x256xf32, #tpu.memory_space<hbm>>
        %dma_wait3A_56 = arith.constant 0 : i32
        %dma_wait3A_57 = tpu.memref_slice %arg4[%add3A_29, %dma_wait3A_56] : memref<131072x256xf32, #tpu.memory_space<hbm>> -> memref<128x256xf32, #tpu.memory_space<hbm>>
        tpu.wait_dma2 semaphore(%run_scoped3A : memref<!tpu.dma_semaphore, #tpu.memory_space<semaphore_mem>>) src(%arg6 : memref<128x256xf32, #tpu.memory_space<vmem>>) dst(%dma_wait3A_57 : memref<128x256xf32, #tpu.memory_space<hbm>>)
        tpu.yield
      }) : () -> ()
      %mul3A_30 = arith.constant 2 : i32
      %mul3A_31 = arith.muli %scan3A_13, %mul3A_30 : i32
      %add3A_32 = arith.constant 1 : i32
      %add3A_33 = arith.addi %mul3A_31, %add3A_32 : i32
      %dma_wait3A_34 = arith.constant 0 : i32
      %dma_wait3A_35 = tpu.memref_slice %arg5[%dma_wait3A_34] : memref<4096xi32, #tpu.memory_space<vmem>> -> memref<128xi32, #tpu.memory_space<vmem>>
      %dma_wait3A_36 = arith.constant 0 : i32
      %dma_wait3A_37 = arith.constant 0 : i32
      %dma_wait3A_38 = tpu.memref_slice %arg2[%dma_wait3A_36, %dma_wait3A_37] : memref<32768x256xf32, #tpu.memory_space<hbm>> -> memref<32768x256xf32, #tpu.memory_space<hbm>>
      tpu.wait_indirect_dma semaphore(%arg9 : memref<!tpu.dma_semaphore, #tpu.memory_space<semaphore_mem>>) src(%dma_wait3A_38 : memref<32768x256xf32, #tpu.memory_space<hbm>>) dst(%arg7 : memref<128x256xf32, #tpu.memory_space<vmem>>)
      %add3A_39 = arith.constant 1 : i32
      %add3A_40 = arith.addi %add3A_33, %add3A_39 : i32
      %lt3A_41 = arith.constant 32 : i32
      %lt3A_42 = arith.cmpi slt, %add3A_40, %lt3A_41 : i32
      %convert_element_type3A_43 = arith.extui %lt3A_42 : i1 to i32
      %cond3A_44 = arith.constant 0 : i32
      %cond3A_45 = arith.cmpi ne, %convert_element_type3A_43, %cond3A_44 : i32
      scf.if %cond3A_45 {
        %add3A_50 = arith.constant 1 : i32
        %add3A_51 = arith.addi %add3A_33, %add3A_50 : i32
        %mul3A_52 = arith.constant 128 : i32
        %mul3A_53 = arith.muli %add3A_51, %mul3A_52 : i32
        %dma_start3A_54 = tpu.memref_slice %arg5[%mul3A_53] : memref<4096xi32, #tpu.memory_space<vmem>> -> memref<128xi32, #tpu.memory_space<vmem>>
        %dma_start3A_55 = arith.constant 0 : i32
        %dma_start3A_56 = arith.constant 0 : i32
        %dma_start3A_57 = tpu.memref_slice %arg2[%dma_start3A_55, %dma_start3A_56] : memref<32768x256xf32, #tpu.memory_space<hbm>> -> memref<32768x256xf32, #tpu.memory_space<hbm>>
        tpu.enqueue_indirect_dma source(%dma_start3A_57 : memref<32768x256xf32, #tpu.memory_space<hbm>>) target(%arg6 : memref<128x256xf32, #tpu.memory_space<vmem>>) offsets(%dma_start3A_54 : memref<128xi32, #tpu.memory_space<vmem>>) semaphore(%arg8 : memref<!tpu.dma_semaphore, #tpu.memory_space<semaphore_mem>>)
      } else {
      }
      %mul3A_46 = arith.constant 128 : i32
      %mul3A_47 = arith.muli %add3A_33, %mul3A_46 : i32
      %add3A_48 = arith.addi %mul3A_2, %mul3A_47 : i32
      "tpu.region"() ({
        %run_scoped3A = tpu.sem_alloc : memref<!tpu.dma_semaphore, #tpu.memory_space<semaphore_mem>>
        %dma_start3A_50 = arith.constant 0 : i32
        %dma_start3A_51 = tpu.memref_slice %arg4[%add3A_48, %dma_start3A_50] : memref<131072x256xf32, #tpu.memory_space<hbm>> -> memref<128x256xf32, #tpu.memory_space<hbm>>
        %dma_start3A_52 = arith.constant 0 : i32
        %dma_start3A_53 = tpu.memref_slice %arg4[%add3A_48, %dma_start3A_52] : memref<131072x256xf32, #tpu.memory_space<hbm>> -> memref<128x256xf32, #tpu.memory_space<hbm>>
        tpu.enqueue_dma source(%arg7 : memref<128x256xf32, #tpu.memory_space<vmem>>) target(%dma_start3A_53 : memref<128x256xf32, #tpu.memory_space<hbm>>) target_semaphore(%run_scoped3A : memref<!tpu.dma_semaphore, #tpu.memory_space<semaphore_mem>>)
        %dma_wait3A_54 = arith.constant 0 : i32
        %dma_wait3A_55 = tpu.memref_slice %arg4[%add3A_48, %dma_wait3A_54] : memref<131072x256xf32, #tpu.memory_space<hbm>> -> memref<128x256xf32, #tpu.memory_space<hbm>>
        %dma_wait3A_56 = arith.constant 0 : i32
        %dma_wait3A_57 = tpu.memref_slice %arg4[%add3A_48, %dma_wait3A_56] : memref<131072x256xf32, #tpu.memory_space<hbm>> -> memref<128x256xf32, #tpu.memory_space<hbm>>
        tpu.wait_dma2 semaphore(%run_scoped3A : memref<!tpu.dma_semaphore, #tpu.memory_space<semaphore_mem>>) src(%arg7 : memref<128x256xf32, #tpu.memory_space<vmem>>) dst(%dma_wait3A_57 : memref<128x256xf32, #tpu.memory_space<hbm>>)
        tpu.yield
      }) : () -> ()
      %scan3A_49 = arith.constant 0 : i32
      scf.yield %scan3A_49 : i32
    }
    %scan3A_12 = arith.constant 16 : i32
    return
  }
}

module attributes {stable_mosaic.version = 14 : i64} {
  func.func @_fps_kernel(%arg0: memref<3x16x2048xf32, #tpu.memory_space<vmem>>, %arg1: memref<3x16x512xf32, #tpu.memory_space<vmem>>) attributes {dimension_semantics = [], scalar_prefetch = 0 : i64, scratch_operands = 0 : i64, tpu.core_type = #tpu.core_type<tc>} {
    %get3A = arith.constant 0 : index
    %get3A_0 = arith.constant 0 : index
    %get3A_1 = arith.constant 0 : index
    %get3A_2 = vector.load %arg0[%get3A, %get3A_0, %get3A_1] : memref<3x16x2048xf32, #tpu.memory_space<vmem>>, vector<1x16x2048xf32>
    %get3A_3 = vector.shape_cast %get3A_2 : vector<1x16x2048xf32> to vector<16x2048xf32>
    %get3A_4 = arith.constant 1 : index
    %get3A_5 = arith.constant 0 : index
    %get3A_6 = arith.constant 0 : index
    %get3A_7 = vector.load %arg0[%get3A_4, %get3A_5, %get3A_6] : memref<3x16x2048xf32, #tpu.memory_space<vmem>>, vector<1x16x2048xf32>
    %get3A_8 = vector.shape_cast %get3A_7 : vector<1x16x2048xf32> to vector<16x2048xf32>
    %get3A_9 = arith.constant 2 : index
    %get3A_10 = arith.constant 0 : index
    %get3A_11 = arith.constant 0 : index
    %get3A_12 = vector.load %arg0[%get3A_9, %get3A_10, %get3A_11] : memref<3x16x2048xf32, #tpu.memory_space<vmem>>, vector<1x16x2048xf32>
    %get3A_13 = vector.shape_cast %get3A_12 : vector<1x16x2048xf32> to vector<16x2048xf32>
    %iota3A = tpu.iota {dimensions = array<i32: 1>} : vector<16x2048xi32>
    %convert_element_type3A = arith.sitofp %iota3A : vector<16x2048xi32> to vector<16x2048xf32>
    %iota3A_14 = tpu.iota {dimensions = array<i32: 1>} : vector<16x512xi32>
    %convert_element_type3A_15 = arith.sitofp %iota3A_14 : vector<16x512xi32> to vector<16x512xf32>
    %broadcast_in_dim3A = arith.constant 1.000000e+10 : f32
    %broadcast_in_dim3A_16 = vector.broadcast %broadcast_in_dim3A : f32 to vector<16x2048xf32>
    %broadcast_in_dim3A_17 = arith.constant 0.000000e+00 : f32
    %broadcast_in_dim3A_18 = vector.broadcast %broadcast_in_dim3A_17 : f32 to vector<16x1xf32>
    %broadcast_in_dim3A_19 = arith.constant 0.000000e+00 : f32
    %broadcast_in_dim3A_20 = vector.broadcast %broadcast_in_dim3A_19 : f32 to vector<16x512xf32>
    %scan3A = arith.constant 0 : i32
    %scan3A_21 = arith.constant 512 : i32
    %scan3A_22 = arith.addi %scan3A, %scan3A_21 : i32
    %scan3A_23 = arith.constant 1 : i32
    %scan3A_24:5 = scf.for %scan3A_43 = %scan3A to %scan3A_22 step %scan3A_23 iter_args(%scan3A_44 = %broadcast_in_dim3A_16, %scan3A_45 = %broadcast_in_dim3A_18, %scan3A_46 = %broadcast_in_dim3A_20, %scan3A_47 = %broadcast_in_dim3A_20, %scan3A_48 = %broadcast_in_dim3A_20) -> (vector<16x2048xf32>, vector<16x1xf32>, vector<16x512xf32>, vector<16x512xf32>, vector<16x512xf32>)  : i32 {
      %eq3A = vector.broadcast %scan3A_45 : vector<16x1xf32> to vector<16x2048xf32>
      %eq3A_49 = arith.cmpf oeq, %convert_element_type3A, %eq3A : vector<16x2048xf32>
      %jit3A = arith.constant 0.000000e+00 : f32
      %broadcast_in_dim3A_50 = vector.broadcast %jit3A : f32 to vector<16x2048xf32>
      %select_n3A = arith.select %eq3A_49, %get3A_3, %broadcast_in_dim3A_50 : vector<16x2048xi1>, vector<16x2048xf32>
      %reduce_sum3A = arith.constant dense<0.000000e+00> : vector<16xf32>
      %reduce_sum3A_51 = vector.multi_reduction <add>, %select_n3A, %reduce_sum3A [1] : vector<16x2048xf32> to vector<16xf32>
      %broadcast_in_dim3A_52 = vector.shape_cast %reduce_sum3A_51 : vector<16xf32> to vector<16x1xf32>
      %jit3A_53 = arith.constant 0.000000e+00 : f32
      %broadcast_in_dim3A_54 = vector.broadcast %jit3A_53 : f32 to vector<16x2048xf32>
      %select_n3A_55 = arith.select %eq3A_49, %get3A_8, %broadcast_in_dim3A_54 : vector<16x2048xi1>, vector<16x2048xf32>
      %reduce_sum3A_56 = arith.constant dense<0.000000e+00> : vector<16xf32>
      %reduce_sum3A_57 = vector.multi_reduction <add>, %select_n3A_55, %reduce_sum3A_56 [1] : vector<16x2048xf32> to vector<16xf32>
      %broadcast_in_dim3A_58 = vector.shape_cast %reduce_sum3A_57 : vector<16xf32> to vector<16x1xf32>
      %jit3A_59 = arith.constant 0.000000e+00 : f32
      %broadcast_in_dim3A_60 = vector.broadcast %jit3A_59 : f32 to vector<16x2048xf32>
      %select_n3A_61 = arith.select %eq3A_49, %get3A_13, %broadcast_in_dim3A_60 : vector<16x2048xi1>, vector<16x2048xf32>
      %reduce_sum3A_62 = arith.constant dense<0.000000e+00> : vector<16xf32>
      %reduce_sum3A_63 = vector.multi_reduction <add>, %select_n3A_61, %reduce_sum3A_62 [1] : vector<16x2048xf32> to vector<16xf32>
      %broadcast_in_dim3A_64 = vector.shape_cast %reduce_sum3A_63 : vector<16xf32> to vector<16x1xf32>
      %convert_element_type3A_65 = arith.sitofp %scan3A_43 : i32 to f32
      %eq3A_66 = vector.broadcast %convert_element_type3A_65 : f32 to vector<16x512xf32>
      %eq3A_67 = arith.cmpf oeq, %convert_element_type3A_15, %eq3A_66 : vector<16x512xf32>
      %broadcast_in_dim3A_68 = vector.shape_cast %broadcast_in_dim3A_52 : vector<16x1xf32> to vector<16x1xf32>
      %broadcast_in_dim3A_69 = vector.broadcast %broadcast_in_dim3A_68 : vector<16x1xf32> to vector<16x512xf32>
      %select_n3A_70 = arith.select %eq3A_67, %broadcast_in_dim3A_69, %scan3A_46 : vector<16x512xi1>, vector<16x512xf32>
      %eq3A_71 = vector.broadcast %convert_element_type3A_65 : f32 to vector<16x512xf32>
      %eq3A_72 = arith.cmpf oeq, %convert_element_type3A_15, %eq3A_71 : vector<16x512xf32>
      %broadcast_in_dim3A_73 = vector.shape_cast %broadcast_in_dim3A_58 : vector<16x1xf32> to vector<16x1xf32>
      %broadcast_in_dim3A_74 = vector.broadcast %broadcast_in_dim3A_73 : vector<16x1xf32> to vector<16x512xf32>
      %select_n3A_75 = arith.select %eq3A_72, %broadcast_in_dim3A_74, %scan3A_47 : vector<16x512xi1>, vector<16x512xf32>
      %eq3A_76 = vector.broadcast %convert_element_type3A_65 : f32 to vector<16x512xf32>
      %eq3A_77 = arith.cmpf oeq, %convert_element_type3A_15, %eq3A_76 : vector<16x512xf32>
      %broadcast_in_dim3A_78 = vector.shape_cast %broadcast_in_dim3A_64 : vector<16x1xf32> to vector<16x1xf32>
      %broadcast_in_dim3A_79 = vector.broadcast %broadcast_in_dim3A_78 : vector<16x1xf32> to vector<16x512xf32>
      %select_n3A_80 = arith.select %eq3A_77, %broadcast_in_dim3A_79, %scan3A_48 : vector<16x512xi1>, vector<16x512xf32>
      %sub3A = vector.broadcast %broadcast_in_dim3A_52 : vector<16x1xf32> to vector<16x2048xf32>
      %sub3A_81 = arith.subf %get3A_3, %sub3A : vector<16x2048xf32>
      %sub3A_82 = vector.broadcast %broadcast_in_dim3A_58 : vector<16x1xf32> to vector<16x2048xf32>
      %sub3A_83 = arith.subf %get3A_8, %sub3A_82 : vector<16x2048xf32>
      %sub3A_84 = vector.broadcast %broadcast_in_dim3A_64 : vector<16x1xf32> to vector<16x2048xf32>
      %sub3A_85 = arith.subf %get3A_13, %sub3A_84 : vector<16x2048xf32>
      %mul3A = arith.mulf %sub3A_81, %sub3A_81 : vector<16x2048xf32>
      %mul3A_86 = arith.mulf %sub3A_83, %sub3A_83 : vector<16x2048xf32>
      %add3A = arith.addf %mul3A, %mul3A_86 : vector<16x2048xf32>
      %mul3A_87 = arith.mulf %sub3A_85, %sub3A_85 : vector<16x2048xf32>
      %add3A_88 = arith.addf %add3A, %mul3A_87 : vector<16x2048xf32>
      %min3A = arith.minimumf %scan3A_44, %add3A_88 : vector<16x2048xf32>
      %reduce_max3A = arith.constant dense<0xFF800000> : vector<16xf32>
      %reduce_max3A_89 = vector.multi_reduction <maximumf>, %min3A, %reduce_max3A [1] : vector<16x2048xf32> to vector<16xf32>
      %broadcast_in_dim3A_90 = vector.shape_cast %reduce_max3A_89 : vector<16xf32> to vector<16x1xf32>
      %eq3A_91 = vector.broadcast %broadcast_in_dim3A_90 : vector<16x1xf32> to vector<16x2048xf32>
      %eq3A_92 = arith.cmpf oeq, %min3A, %eq3A_91 : vector<16x2048xf32>
      %jit3A_93 = arith.constant 2.048000e+03 : f32
      %broadcast_in_dim3A_94 = vector.broadcast %jit3A_93 : f32 to vector<16x2048xf32>
      %select_n3A_95 = arith.select %eq3A_92, %convert_element_type3A, %broadcast_in_dim3A_94 : vector<16x2048xi1>, vector<16x2048xf32>
      %reduce_min3A = arith.constant dense<0x7F800000> : vector<16xf32>
      %reduce_min3A_96 = vector.multi_reduction <minimumf>, %select_n3A_95, %reduce_min3A [1] : vector<16x2048xf32> to vector<16xf32>
      %broadcast_in_dim3A_97 = vector.shape_cast %reduce_min3A_96 : vector<16xf32> to vector<16x1xf32>
      scf.yield %min3A, %broadcast_in_dim3A_97, %select_n3A_70, %select_n3A_75, %select_n3A_80 : vector<16x2048xf32>, vector<16x1xf32>, vector<16x512xf32>, vector<16x512xf32>, vector<16x512xf32>
    }
    %scan3A_25 = arith.constant 512 : i32
    %swap3A = arith.constant 0 : index
    %swap3A_26 = arith.constant 0 : index
    %swap3A_27 = arith.constant 0 : index
    %swap3A_28 = vector.load %arg1[%swap3A, %swap3A_26, %swap3A_27] : memref<3x16x512xf32, #tpu.memory_space<vmem>>, vector<1x16x512xf32>
    %swap3A_29 = vector.shape_cast %swap3A_28 : vector<1x16x512xf32> to vector<16x512xf32>
    %swap3A_30 = vector.shape_cast %scan3A_24#2 : vector<16x512xf32> to vector<1x16x512xf32>
    tpu.vector_store %arg1[%swap3A, %swap3A_26, %swap3A_27], %swap3A_30 {strides = array<i32>} : memref<3x16x512xf32, #tpu.memory_space<vmem>>, vector<1x16x512xf32>,
    %swap3A_31 = arith.constant 1 : index
    %swap3A_32 = arith.constant 0 : index
    %swap3A_33 = arith.constant 0 : index
    %swap3A_34 = vector.load %arg1[%swap3A_31, %swap3A_32, %swap3A_33] : memref<3x16x512xf32, #tpu.memory_space<vmem>>, vector<1x16x512xf32>
    %swap3A_35 = vector.shape_cast %swap3A_34 : vector<1x16x512xf32> to vector<16x512xf32>
    %swap3A_36 = vector.shape_cast %scan3A_24#3 : vector<16x512xf32> to vector<1x16x512xf32>
    tpu.vector_store %arg1[%swap3A_31, %swap3A_32, %swap3A_33], %swap3A_36 {strides = array<i32>} : memref<3x16x512xf32, #tpu.memory_space<vmem>>, vector<1x16x512xf32>,
    %swap3A_37 = arith.constant 2 : index
    %swap3A_38 = arith.constant 0 : index
    %swap3A_39 = arith.constant 0 : index
    %swap3A_40 = vector.load %arg1[%swap3A_37, %swap3A_38, %swap3A_39] : memref<3x16x512xf32, #tpu.memory_space<vmem>>, vector<1x16x512xf32>
    %swap3A_41 = vector.shape_cast %swap3A_40 : vector<1x16x512xf32> to vector<16x512xf32>
    %swap3A_42 = vector.shape_cast %scan3A_24#4 : vector<16x512xf32> to vector<1x16x512xf32>
    tpu.vector_store %arg1[%swap3A_37, %swap3A_38, %swap3A_39], %swap3A_42 {strides = array<i32>} : memref<3x16x512xf32, #tpu.memory_space<vmem>>, vector<1x16x512xf32>,
    return
  }
}

module attributes {stable_mosaic.version = 14 : i64} {
  func.func @_bq_kernel(%arg0: i32, %arg1: i32, %arg2: memref<1x3x2048xf32, #tpu.memory_space<vmem>>, %arg3: memref<1x128x3xf32, #tpu.memory_space<vmem>>, %arg4: memref<1x128x32xi32, #tpu.memory_space<vmem>>) attributes {dimension_semantics = [#tpu.dimension_semantics<arbitrary>, #tpu.dimension_semantics<arbitrary>], iteration_bounds = array<i64: 8, 4>, scalar_prefetch = 0 : i64, scratch_operands = 0 : i64, tpu.core_type = #tpu.core_type<tc>, window_params = [{transform_indices = @transform_0, window_bounds = array<i64: 1, 3, 2048>}, {transform_indices = @transform_1, window_bounds = array<i64: 1, 128, 3>}, {transform_indices = @transform_2, window_bounds = array<i64: 1, 128, 32>}]} {
    %get3A = arith.constant 0 : index
    %get3A_0 = arith.constant 0 : index
    %get3A_1 = arith.constant 0 : index
    %get3A_2 = vector.load %arg2[%get3A, %get3A_0, %get3A_1] : memref<1x3x2048xf32, #tpu.memory_space<vmem>>, vector<1x1x2048xf32>
    %get3A_3 = vector.shape_cast %get3A_2 : vector<1x1x2048xf32> to vector<1x2048xf32>
    %get3A_4 = arith.constant 0 : index
    %get3A_5 = arith.constant 1 : index
    %get3A_6 = arith.constant 0 : index
    %get3A_7 = vector.load %arg2[%get3A_4, %get3A_5, %get3A_6] : memref<1x3x2048xf32, #tpu.memory_space<vmem>>, vector<1x1x2048xf32>
    %get3A_8 = vector.shape_cast %get3A_7 : vector<1x1x2048xf32> to vector<1x2048xf32>
    %get3A_9 = arith.constant 0 : index
    %get3A_10 = arith.constant 2 : index
    %get3A_11 = arith.constant 0 : index
    %get3A_12 = vector.load %arg2[%get3A_9, %get3A_10, %get3A_11] : memref<1x3x2048xf32, #tpu.memory_space<vmem>>, vector<1x1x2048xf32>
    %get3A_13 = vector.shape_cast %get3A_12 : vector<1x1x2048xf32> to vector<1x2048xf32>
    %get3A_14 = arith.constant 0 : index
    %get3A_15 = arith.constant 0 : index
    %get3A_16 = arith.constant 0 : index
    %get3A_17 = vector.load %arg3[%get3A_14, %get3A_15, %get3A_16] : memref<1x128x3xf32, #tpu.memory_space<vmem>>, vector<1x128x3xf32>
    %get3A_18 = vector.shape_cast %get3A_17 : vector<1x128x3xf32> to vector<128x3xf32>
    %slice3A = vector.extract_strided_slice %get3A_18 {offsets = [0, 0], sizes = [128, 1], strides = [1, 1]} : vector<128x3xf32> to vector<128x1xf32>
    %slice3A_19 = vector.extract_strided_slice %get3A_18 {offsets = [0, 1], sizes = [128, 1], strides = [1, 1]} : vector<128x3xf32> to vector<128x1xf32>
    %slice3A_20 = vector.extract_strided_slice %get3A_18 {offsets = [0, 2], sizes = [128, 1], strides = [1, 1]} : vector<128x3xf32> to vector<128x1xf32>
    %convert_element_type3A = arith.truncf %get3A_18 : vector<128x3xf32> to vector<128x3xbf16>
    %get3A_21 = arith.constant 0 : index
    %get3A_22 = arith.constant 0 : index
    %get3A_23 = arith.constant 0 : index
    %get3A_24 = vector.load %arg2[%get3A_21, %get3A_22, %get3A_23] : memref<1x3x2048xf32, #tpu.memory_space<vmem>>, vector<1x3x2048xf32>
    %get3A_25 = vector.shape_cast %get3A_24 : vector<1x3x2048xf32> to vector<3x2048xf32>
    %convert_element_type3A_26 = arith.truncf %get3A_25 : vector<3x2048xf32> to vector<3x2048xbf16>
    %dot_general3A = arith.constant dense<0.000000e+00> : vector<128x2048xf32>
    %dot_general3A_27 = tpu.matmul %convert_element_type3A, %convert_element_type3A_26, %dot_general3A {dimension_numbers = #tpu.dot_dimension_numbers<[1], [0], [0], [1], [0, 0, 1, 1], [], []>, transpose_lhs_hint = false} : vector<128x3xbf16>, vector<3x2048xbf16>, vector<128x2048xf32> -> vector<128x2048xf32>
    %mul3A = arith.mulf %slice3A, %slice3A : vector<128x1xf32>
    %mul3A_28 = arith.mulf %slice3A_19, %slice3A_19 : vector<128x1xf32>
    %add3A = arith.addf %mul3A, %mul3A_28 : vector<128x1xf32>
    %mul3A_29 = arith.mulf %slice3A_20, %slice3A_20 : vector<128x1xf32>
    %add3A_30 = arith.addf %add3A, %mul3A_29 : vector<128x1xf32>
    %mul3A_31 = arith.mulf %get3A_3, %get3A_3 : vector<1x2048xf32>
    %mul3A_32 = arith.mulf %get3A_8, %get3A_8 : vector<1x2048xf32>
    %add3A_33 = arith.addf %mul3A_31, %mul3A_32 : vector<1x2048xf32>
    %mul3A_34 = arith.mulf %get3A_13, %get3A_13 : vector<1x2048xf32>
    %add3A_35 = arith.addf %add3A_33, %mul3A_34 : vector<1x2048xf32>
    %add3A_36 = vector.broadcast %add3A_30 : vector<128x1xf32> to vector<128x2048xf32>
    %add3A_37 = vector.broadcast %add3A_35 : vector<1x2048xf32> to vector<128x2048xf32>
    %add3A_38 = arith.addf %add3A_36, %add3A_37 : vector<128x2048xf32>
    %mul3A_39 = arith.constant 2.000000e+00 : f32
    %mul3A_40 = vector.broadcast %mul3A_39 : f32 to vector<128x2048xf32>
    %mul3A_41 = arith.mulf %mul3A_40, %dot_general3A_27 : vector<128x2048xf32>
    %sub3A = arith.subf %add3A_38, %mul3A_41 : vector<128x2048xf32>
    %le3A = arith.constant 4.000000e-02 : f32
    %le3A_42 = vector.broadcast %le3A : f32 to vector<128x2048xf32>
    %le3A_43 = arith.cmpf ole, %sub3A, %le3A_42 : vector<128x2048xf32>
    %jit3A = arith.constant 1.000000e+00 : f32
    %jit3A_44 = arith.constant 0.000000e+00 : f32
    %broadcast_in_dim3A = vector.broadcast %jit3A : f32 to vector<128x2048xf32>
    %broadcast_in_dim3A_45 = vector.broadcast %jit3A_44 : f32 to vector<128x2048xf32>
    %select_n3A = arith.select %le3A_43, %broadcast_in_dim3A, %broadcast_in_dim3A_45 : vector<128x2048xi1>, vector<128x2048xf32>
    %iota3A = tpu.iota {dimensions = array<i32: 0>} : vector<256x256xi32>
    %iota3A_46 = tpu.iota {dimensions = array<i32: 1>} : vector<256x256xi32>
    %le3A_47 = arith.cmpi sle, %iota3A, %iota3A_46 : vector<256x256xi32>
    %reshape3A = vector.shape_cast %select_n3A : vector<128x2048xf32> to vector<1024x256xf32>
    %convert_element_type3A_48 = arith.truncf %reshape3A : vector<1024x256xf32> to vector<1024x256xbf16>
    %convert_element_type3A_49 = arith.extui %le3A_47 : vector<256x256xi1> to vector<256x256xi32>
    %convert_element_type3A_50 = arith.sitofp %convert_element_type3A_49 : vector<256x256xi32> to vector<256x256xf32>
    %convert_element_type3A_51 = arith.truncf %convert_element_type3A_50 : vector<256x256xf32> to vector<256x256xbf16>
    %dot_general3A_52 = arith.constant dense<0.000000e+00> : vector<1024x256xf32>
    %dot_general3A_53 = tpu.matmul %convert_element_type3A_48, %convert_element_type3A_51, %dot_general3A_52 {dimension_numbers = #tpu.dot_dimension_numbers<[1], [0], [0], [1], [0, 0, 1, 1], [], []>, transpose_lhs_hint = false} : vector<1024x256xbf16>, vector<256x256xbf16>, vector<1024x256xf32> -> vector<1024x256xf32>
    %reshape3A_54 = vector.shape_cast %dot_general3A_53 : vector<1024x256xf32> to vector<128x8x256xf32>
    %slice3A_55 = vector.extract_strided_slice %reshape3A_54 {offsets = [0, 0, 255], sizes = [128, 8, 1], strides = [1, 1, 1]} : vector<128x8x256xf32> to vector<128x8x1xf32>
    %reshape3A_56 = vector.shape_cast %slice3A_55 : vector<128x8x1xf32> to vector<128x8xf32>
    %slice3A_57 = vector.extract_strided_slice %reshape3A_56 {offsets = [0, 7], sizes = [128, 1], strides = [1, 1]} : vector<128x8xf32> to vector<128x1xf32>
    %slice3A_58 = vector.extract_strided_slice %reshape3A_56 {offsets = [0, 0], sizes = [128, 7], strides = [1, 1]} : vector<128x8xf32> to vector<128x7xf32>
    %concatenate3A = tpu.concatenate %slice3A_57, %slice3A_58 in 1 : vector<128x1xf32>, vector<128x7xf32> -> vector<128x8xf32>
    %iota3A_59 = tpu.iota {dimensions = array<i32: 1>} : vector<128x8xi32>
    %ge3A = arith.constant 1 : i32
    %ge3A_60 = vector.broadcast %ge3A : i32 to vector<128x8xi32>
    %ge3A_61 = arith.cmpi sge, %iota3A_59, %ge3A_60 : vector<128x8xi32>
    %jit3A_62 = arith.constant 0.000000e+00 : f32
    %broadcast_in_dim3A_63 = vector.broadcast %jit3A_62 : f32 to vector<128x8xf32>
    %select_n3A_64 = arith.select %ge3A_61, %concatenate3A, %broadcast_in_dim3A_63 : vector<128x8xi1>, vector<128x8xf32>
    %add3A_65 = arith.addf %reshape3A_56, %select_n3A_64 : vector<128x8xf32>
    %slice3A_66 = vector.extract_strided_slice %add3A_65 {offsets = [0, 6], sizes = [128, 2], strides = [1, 1]} : vector<128x8xf32> to vector<128x2xf32>
    %slice3A_67 = vector.extract_strided_slice %add3A_65 {offsets = [0, 0], sizes = [128, 6], strides = [1, 1]} : vector<128x8xf32> to vector<128x6xf32>
    %concatenate3A_68 = tpu.concatenate %slice3A_66, %slice3A_67 in 1 : vector<128x2xf32>, vector<128x6xf32> -> vector<128x8xf32>
    %iota3A_69 = tpu.iota {dimensions = array<i32: 1>} : vector<128x8xi32>
    %ge3A_70 = arith.constant 2 : i32
    %ge3A_71 = vector.broadcast %ge3A_70 : i32 to vector<128x8xi32>
    %ge3A_72 = arith.cmpi sge, %iota3A_69, %ge3A_71 : vector<128x8xi32>
    %jit3A_73 = arith.constant 0.000000e+00 : f32
    %broadcast_in_dim3A_74 = vector.broadcast %jit3A_73 : f32 to vector<128x8xf32>
    %select_n3A_75 = arith.select %ge3A_72, %concatenate3A_68, %broadcast_in_dim3A_74 : vector<128x8xi1>, vector<128x8xf32>
    %add3A_76 = arith.addf %add3A_65, %select_n3A_75 : vector<128x8xf32>
    %slice3A_77 = vector.extract_strided_slice %add3A_76 {offsets = [0, 4], sizes = [128, 4], strides = [1, 1]} : vector<128x8xf32> to vector<128x4xf32>
    %slice3A_78 = vector.extract_strided_slice %add3A_76 {offsets = [0, 0], sizes = [128, 4], strides = [1, 1]} : vector<128x8xf32> to vector<128x4xf32>
    %concatenate3A_79 = tpu.concatenate %slice3A_77, %slice3A_78 in 1 : vector<128x4xf32>, vector<128x4xf32> -> vector<128x8xf32>
    %iota3A_80 = tpu.iota {dimensions = array<i32: 1>} : vector<128x8xi32>
    %ge3A_81 = arith.constant 4 : i32
    %ge3A_82 = vector.broadcast %ge3A_81 : i32 to vector<128x8xi32>
    %ge3A_83 = arith.cmpi sge, %iota3A_80, %ge3A_82 : vector<128x8xi32>
    %jit3A_84 = arith.constant 0.000000e+00 : f32
    %broadcast_in_dim3A_85 = vector.broadcast %jit3A_84 : f32 to vector<128x8xf32>
    %select_n3A_86 = arith.select %ge3A_83, %concatenate3A_79, %broadcast_in_dim3A_85 : vector<128x8xi1>, vector<128x8xf32>
    %add3A_87 = arith.addf %add3A_76, %select_n3A_86 : vector<128x8xf32>
    %sub3A_88 = arith.subf %add3A_87, %reshape3A_56 : vector<128x8xf32>
    %reshape3A_89 = vector.shape_cast %sub3A_88 : vector<128x8xf32> to vector<128x8x1xf32>
    %add3A_90 = vector.broadcast %reshape3A_89 : vector<128x8x1xf32> to vector<128x8x256xf32>
    %add3A_91 = arith.addf %reshape3A_54, %add3A_90 : vector<128x8x256xf32>
    %reshape3A_92 = vector.shape_cast %add3A_91 : vector<128x8x256xf32> to vector<128x2048xf32>
    %slice3A_93 = vector.extract_strided_slice %reshape3A_92 {offsets = [0, 2047], sizes = [128, 1], strides = [1, 1]} : vector<128x2048xf32> to vector<128x1xf32>
    %min3A = arith.constant 3.200000e+01 : f32
    %min3A_94 = vector.broadcast %min3A : f32 to vector<128x2048xf32>
    %min3A_95 = arith.minimumf %reshape3A_92, %min3A_94 : vector<128x2048xf32>
    %iota3A_96 = tpu.iota {dimensions = array<i32: 1>} : vector<1x32x1xi32>
    %convert_element_type3A_97 = arith.sitofp %iota3A_96 : vector<1x32x1xi32> to vector<1x32x1xf32>
    %broadcast_in_dim3A_98 = arith.constant 0.000000e+00 : f32
    %broadcast_in_dim3A_99 = vector.broadcast %broadcast_in_dim3A_98 : f32 to vector<128x32xf32>
    %slice3A_100 = vector.extract_strided_slice %min3A_95 {offsets = [0, 0], sizes = [128, 256], strides = [1, 1]} : vector<128x2048xf32> to vector<128x256xf32>
    %broadcast_in_dim3A_101 = vector.shape_cast %slice3A_100 : vector<128x256xf32> to vector<128x1x256xf32>
    %le3A_102 = vector.broadcast %broadcast_in_dim3A_101 : vector<128x1x256xf32> to vector<128x32x256xf32>
    %le3A_103 = vector.broadcast %convert_element_type3A_97 : vector<1x32x1xf32> to vector<128x32x256xf32>
    %le3A_104 = arith.cmpf ole, %le3A_102, %le3A_103 : vector<128x32x256xf32>
    %jit3A_105 = arith.constant 1.000000e+00 : f32
    %jit3A_106 = arith.constant 0.000000e+00 : f32
    %broadcast_in_dim3A_107 = vector.broadcast %jit3A_105 : f32 to vector<128x32x256xf32>
    %broadcast_in_dim3A_108 = vector.broadcast %jit3A_106 : f32 to vector<128x32x256xf32>
    %select_n3A_109 = arith.select %le3A_104, %broadcast_in_dim3A_107, %broadcast_in_dim3A_108 : vector<128x32x256xi1>, vector<128x32x256xf32>
    %reduce_sum3A = arith.constant dense<0.000000e+00> : vector<128x32xf32>
    %reduce_sum3A_110 = vector.multi_reduction <add>, %select_n3A_109, %reduce_sum3A [2] : vector<128x32x256xf32> to vector<128x32xf32>
    %add3A_111 = arith.addf %broadcast_in_dim3A_99, %reduce_sum3A_110 : vector<128x32xf32>
    %slice3A_112 = vector.extract_strided_slice %min3A_95 {offsets = [0, 256], sizes = [128, 256], strides = [1, 1]} : vector<128x2048xf32> to vector<128x256xf32>
    %broadcast_in_dim3A_113 = vector.shape_cast %slice3A_112 : vector<128x256xf32> to vector<128x1x256xf32>
    %le3A_114 = vector.broadcast %broadcast_in_dim3A_113 : vector<128x1x256xf32> to vector<128x32x256xf32>
    %le3A_115 = vector.broadcast %convert_element_type3A_97 : vector<1x32x1xf32> to vector<128x32x256xf32>
    %le3A_116 = arith.cmpf ole, %le3A_114, %le3A_115 : vector<128x32x256xf32>
    %jit3A_117 = arith.constant 1.000000e+00 : f32
    %jit3A_118 = arith.constant 0.000000e+00 : f32
    %broadcast_in_dim3A_119 = vector.broadcast %jit3A_117 : f32 to vector<128x32x256xf32>
    %broadcast_in_dim3A_120 = vector.broadcast %jit3A_118 : f32 to vector<128x32x256xf32>
    %select_n3A_121 = arith.select %le3A_116, %broadcast_in_dim3A_119, %broadcast_in_dim3A_120 : vector<128x32x256xi1>, vector<128x32x256xf32>
    %reduce_sum3A_122 = arith.constant dense<0.000000e+00> : vector<128x32xf32>
    %reduce_sum3A_123 = vector.multi_reduction <add>, %select_n3A_121, %reduce_sum3A_122 [2] : vector<128x32x256xf32> to vector<128x32xf32>
    %add3A_124 = arith.addf %add3A_111, %reduce_sum3A_123 : vector<128x32xf32>
    %slice3A_125 = vector.extract_strided_slice %min3A_95 {offsets = [0, 512], sizes = [128, 256], strides = [1, 1]} : vector<128x2048xf32> to vector<128x256xf32>
    %broadcast_in_dim3A_126 = vector.shape_cast %slice3A_125 : vector<128x256xf32> to vector<128x1x256xf32>
    %le3A_127 = vector.broadcast %broadcast_in_dim3A_126 : vector<128x1x256xf32> to vector<128x32x256xf32>
    %le3A_128 = vector.broadcast %convert_element_type3A_97 : vector<1x32x1xf32> to vector<128x32x256xf32>
    %le3A_129 = arith.cmpf ole, %le3A_127, %le3A_128 : vector<128x32x256xf32>
    %jit3A_130 = arith.constant 1.000000e+00 : f32
    %jit3A_131 = arith.constant 0.000000e+00 : f32
    %broadcast_in_dim3A_132 = vector.broadcast %jit3A_130 : f32 to vector<128x32x256xf32>
    %broadcast_in_dim3A_133 = vector.broadcast %jit3A_131 : f32 to vector<128x32x256xf32>
    %select_n3A_134 = arith.select %le3A_129, %broadcast_in_dim3A_132, %broadcast_in_dim3A_133 : vector<128x32x256xi1>, vector<128x32x256xf32>
    %reduce_sum3A_135 = arith.constant dense<0.000000e+00> : vector<128x32xf32>
    %reduce_sum3A_136 = vector.multi_reduction <add>, %select_n3A_134, %reduce_sum3A_135 [2] : vector<128x32x256xf32> to vector<128x32xf32>
    %add3A_137 = arith.addf %add3A_124, %reduce_sum3A_136 : vector<128x32xf32>
    %slice3A_138 = vector.extract_strided_slice %min3A_95 {offsets = [0, 768], sizes = [128, 256], strides = [1, 1]} : vector<128x2048xf32> to vector<128x256xf32>
    %broadcast_in_dim3A_139 = vector.shape_cast %slice3A_138 : vector<128x256xf32> to vector<128x1x256xf32>
    %le3A_140 = vector.broadcast %broadcast_in_dim3A_139 : vector<128x1x256xf32> to vector<128x32x256xf32>
    %le3A_141 = vector.broadcast %convert_element_type3A_97 : vector<1x32x1xf32> to vector<128x32x256xf32>
    %le3A_142 = arith.cmpf ole, %le3A_140, %le3A_141 : vector<128x32x256xf32>
    %jit3A_143 = arith.constant 1.000000e+00 : f32
    %jit3A_144 = arith.constant 0.000000e+00 : f32
    %broadcast_in_dim3A_145 = vector.broadcast %jit3A_143 : f32 to vector<128x32x256xf32>
    %broadcast_in_dim3A_146 = vector.broadcast %jit3A_144 : f32 to vector<128x32x256xf32>
    %select_n3A_147 = arith.select %le3A_142, %broadcast_in_dim3A_145, %broadcast_in_dim3A_146 : vector<128x32x256xi1>, vector<128x32x256xf32>
    %reduce_sum3A_148 = arith.constant dense<0.000000e+00> : vector<128x32xf32>
    %reduce_sum3A_149 = vector.multi_reduction <add>, %select_n3A_147, %reduce_sum3A_148 [2] : vector<128x32x256xf32> to vector<128x32xf32>
    %add3A_150 = arith.addf %add3A_137, %reduce_sum3A_149 : vector<128x32xf32>
    %slice3A_151 = vector.extract_strided_slice %min3A_95 {offsets = [0, 1024], sizes = [128, 256], strides = [1, 1]} : vector<128x2048xf32> to vector<128x256xf32>
    %broadcast_in_dim3A_152 = vector.shape_cast %slice3A_151 : vector<128x256xf32> to vector<128x1x256xf32>
    %le3A_153 = vector.broadcast %broadcast_in_dim3A_152 : vector<128x1x256xf32> to vector<128x32x256xf32>
    %le3A_154 = vector.broadcast %convert_element_type3A_97 : vector<1x32x1xf32> to vector<128x32x256xf32>
    %le3A_155 = arith.cmpf ole, %le3A_153, %le3A_154 : vector<128x32x256xf32>
    %jit3A_156 = arith.constant 1.000000e+00 : f32
    %jit3A_157 = arith.constant 0.000000e+00 : f32
    %broadcast_in_dim3A_158 = vector.broadcast %jit3A_156 : f32 to vector<128x32x256xf32>
    %broadcast_in_dim3A_159 = vector.broadcast %jit3A_157 : f32 to vector<128x32x256xf32>
    %select_n3A_160 = arith.select %le3A_155, %broadcast_in_dim3A_158, %broadcast_in_dim3A_159 : vector<128x32x256xi1>, vector<128x32x256xf32>
    %reduce_sum3A_161 = arith.constant dense<0.000000e+00> : vector<128x32xf32>
    %reduce_sum3A_162 = vector.multi_reduction <add>, %select_n3A_160, %reduce_sum3A_161 [2] : vector<128x32x256xf32> to vector<128x32xf32>
    %add3A_163 = arith.addf %add3A_150, %reduce_sum3A_162 : vector<128x32xf32>
    %slice3A_164 = vector.extract_strided_slice %min3A_95 {offsets = [0, 1280], sizes = [128, 256], strides = [1, 1]} : vector<128x2048xf32> to vector<128x256xf32>
    %broadcast_in_dim3A_165 = vector.shape_cast %slice3A_164 : vector<128x256xf32> to vector<128x1x256xf32>
    %le3A_166 = vector.broadcast %broadcast_in_dim3A_165 : vector<128x1x256xf32> to vector<128x32x256xf32>
    %le3A_167 = vector.broadcast %convert_element_type3A_97 : vector<1x32x1xf32> to vector<128x32x256xf32>
    %le3A_168 = arith.cmpf ole, %le3A_166, %le3A_167 : vector<128x32x256xf32>
    %jit3A_169 = arith.constant 1.000000e+00 : f32
    %jit3A_170 = arith.constant 0.000000e+00 : f32
    %broadcast_in_dim3A_171 = vector.broadcast %jit3A_169 : f32 to vector<128x32x256xf32>
    %broadcast_in_dim3A_172 = vector.broadcast %jit3A_170 : f32 to vector<128x32x256xf32>
    %select_n3A_173 = arith.select %le3A_168, %broadcast_in_dim3A_171, %broadcast_in_dim3A_172 : vector<128x32x256xi1>, vector<128x32x256xf32>
    %reduce_sum3A_174 = arith.constant dense<0.000000e+00> : vector<128x32xf32>
    %reduce_sum3A_175 = vector.multi_reduction <add>, %select_n3A_173, %reduce_sum3A_174 [2] : vector<128x32x256xf32> to vector<128x32xf32>
    %add3A_176 = arith.addf %add3A_163, %reduce_sum3A_175 : vector<128x32xf32>
    %slice3A_177 = vector.extract_strided_slice %min3A_95 {offsets = [0, 1536], sizes = [128, 256], strides = [1, 1]} : vector<128x2048xf32> to vector<128x256xf32>
    %broadcast_in_dim3A_178 = vector.shape_cast %slice3A_177 : vector<128x256xf32> to vector<128x1x256xf32>
    %le3A_179 = vector.broadcast %broadcast_in_dim3A_178 : vector<128x1x256xf32> to vector<128x32x256xf32>
    %le3A_180 = vector.broadcast %convert_element_type3A_97 : vector<1x32x1xf32> to vector<128x32x256xf32>
    %le3A_181 = arith.cmpf ole, %le3A_179, %le3A_180 : vector<128x32x256xf32>
    %jit3A_182 = arith.constant 1.000000e+00 : f32
    %jit3A_183 = arith.constant 0.000000e+00 : f32
    %broadcast_in_dim3A_184 = vector.broadcast %jit3A_182 : f32 to vector<128x32x256xf32>
    %broadcast_in_dim3A_185 = vector.broadcast %jit3A_183 : f32 to vector<128x32x256xf32>
    %select_n3A_186 = arith.select %le3A_181, %broadcast_in_dim3A_184, %broadcast_in_dim3A_185 : vector<128x32x256xi1>, vector<128x32x256xf32>
    %reduce_sum3A_187 = arith.constant dense<0.000000e+00> : vector<128x32xf32>
    %reduce_sum3A_188 = vector.multi_reduction <add>, %select_n3A_186, %reduce_sum3A_187 [2] : vector<128x32x256xf32> to vector<128x32xf32>
    %add3A_189 = arith.addf %add3A_176, %reduce_sum3A_188 : vector<128x32xf32>
    %slice3A_190 = vector.extract_strided_slice %min3A_95 {offsets = [0, 1792], sizes = [128, 256], strides = [1, 1]} : vector<128x2048xf32> to vector<128x256xf32>
    %broadcast_in_dim3A_191 = vector.shape_cast %slice3A_190 : vector<128x256xf32> to vector<128x1x256xf32>
    %le3A_192 = vector.broadcast %broadcast_in_dim3A_191 : vector<128x1x256xf32> to vector<128x32x256xf32>
    %le3A_193 = vector.broadcast %convert_element_type3A_97 : vector<1x32x1xf32> to vector<128x32x256xf32>
    %le3A_194 = arith.cmpf ole, %le3A_192, %le3A_193 : vector<128x32x256xf32>
    %jit3A_195 = arith.constant 1.000000e+00 : f32
    %jit3A_196 = arith.constant 0.000000e+00 : f32
    %broadcast_in_dim3A_197 = vector.broadcast %jit3A_195 : f32 to vector<128x32x256xf32>
    %broadcast_in_dim3A_198 = vector.broadcast %jit3A_196 : f32 to vector<128x32x256xf32>
    %select_n3A_199 = arith.select %le3A_194, %broadcast_in_dim3A_197, %broadcast_in_dim3A_198 : vector<128x32x256xi1>, vector<128x32x256xf32>
    %reduce_sum3A_200 = arith.constant dense<0.000000e+00> : vector<128x32xf32>
    %reduce_sum3A_201 = vector.multi_reduction <add>, %select_n3A_199, %reduce_sum3A_200 [2] : vector<128x32x256xf32> to vector<128x32xf32>
    %add3A_202 = arith.addf %add3A_189, %reduce_sum3A_201 : vector<128x32xf32>
    %iota3A_203 = tpu.iota {dimensions = array<i32: 1>} : vector<128x32xi32>
    %convert_element_type3A_204 = arith.sitofp %iota3A_203 : vector<128x32xi32> to vector<128x32xf32>
    %slice3A_205 = vector.extract_strided_slice %add3A_202 {offsets = [0, 0], sizes = [128, 1], strides = [1, 1]} : vector<128x32xf32> to vector<128x1xf32>
    %lt3A = vector.broadcast %slice3A_93 : vector<128x1xf32> to vector<128x32xf32>
    %lt3A_206 = arith.cmpf olt, %convert_element_type3A_204, %lt3A : vector<128x32xf32>
    %broadcast_in_dim3A_207 = vector.shape_cast %slice3A_205 : vector<128x1xf32> to vector<128x1xf32>
    %broadcast_in_dim3A_208 = vector.broadcast %broadcast_in_dim3A_207 : vector<128x1xf32> to vector<128x32xf32>
    %select_n3A_209 = arith.select %lt3A_206, %add3A_202, %broadcast_in_dim3A_208 : vector<128x32xi1>, vector<128x32xf32>
    %convert_element_type3A_210 = arith.sitofp %arg0 : i32 to f32
    %mul3A_211 = arith.constant 2.048000e+03 : f32
    %mul3A_212 = arith.mulf %convert_element_type3A_210, %mul3A_211 : f32
    %add3A_213 = vector.broadcast %mul3A_212 : f32 to vector<128x32xf32>
    %add3A_214 = arith.addf %select_n3A_209, %add3A_213 : vector<128x32xf32>
    %convert_element_type3A_215 = arith.fptosi %add3A_214 : vector<128x32xf32> to vector<128x32xi32>
    %swap3A = arith.constant 0 : index
    %swap3A_216 = arith.constant 0 : index
    %swap3A_217 = arith.constant 0 : index
    %swap3A_218 = vector.load %arg4[%swap3A, %swap3A_216, %swap3A_217] : memref<1x128x32xi32, #tpu.memory_space<vmem>>, vector<1x128x32xi32>
    %swap3A_219 = vector.shape_cast %swap3A_218 : vector<1x128x32xi32> to vector<128x32xi32>
    %swap3A_220 = vector.shape_cast %convert_element_type3A_215 : vector<128x32xi32> to vector<1x128x32xi32>
    tpu.vector_store %arg4[%swap3A, %swap3A_216, %swap3A_217], %swap3A_220 {strides = array<i32>} : memref<1x128x32xi32, #tpu.memory_space<vmem>>, vector<1x128x32xi32>,
    return
  }
  func.func @transform_0(%arg0: i32, %arg1: i32) -> (i32, i32, i32) {
    %c0_i32 = arith.constant 0 : i32
    %c0_i32_0 = arith.constant 0 : i32
    %c0_i32_1 = arith.constant 0 : i32
    return %arg0, %c0_i32, %c0_i32_0 : i32, i32, i32
  }
  func.func @transform_1(%arg0: i32, %arg1: i32) -> (i32, i32, i32) {
    %c0_i32 = arith.constant 0 : i32
    %c0_i32_0 = arith.constant 0 : i32
    return %arg0, %arg1, %c0_i32 : i32, i32, i32
  }
  func.func @transform_2(%arg0: i32, %arg1: i32) -> (i32, i32, i32) {
    %c0_i32 = arith.constant 0 : i32
    %c0_i32_0 = arith.constant 0 : i32
    return %arg0, %arg1, %c0_i32 : i32, i32, i32
  }
}

module attributes {stable_mosaic.version = 14 : i64} {
  func.func @_conv1_kernel(%arg0: i32, %arg1: i32, %arg2: memref<4096x256xf32, #tpu.memory_space<vmem>>, %arg3: memref<1x128x3xf32, #tpu.memory_space<vmem>>, %arg4: memref<1x1x256xf32, #tpu.memory_space<vmem>>, %arg5: memref<128x256xf32, #tpu.memory_space<vmem>>, %arg6: memref<1x128xf32, #tpu.memory_space<vmem>>, %arg7: memref<128x256xf32, #tpu.memory_space<vmem>>, %arg8: memref<1x4096x128xf32, #tpu.memory_space<vmem>>, %arg9: memref<2x128xf32, #tpu.memory_space<vmem>>) attributes {dimension_semantics = [#tpu.dimension_semantics<arbitrary>, #tpu.dimension_semantics<arbitrary>], iteration_bounds = array<i64: 8, 4>, scalar_prefetch = 0 : i64, scratch_operands = 0 : i64, tpu.core_type = #tpu.core_type<tc>, window_params = [{transform_indices = @transform_0, window_bounds = array<i64: 4096, 256>}, {transform_indices = @transform_1, window_bounds = array<i64: 1, 128, 3>}, {transform_indices = @transform_2, window_bounds = array<i64: 1, 1, 256>}, {pipeline_mode = #tpu.pipeline_mode<synchronous>, transform_indices = @transform_3, window_bounds = array<i64: 128, 256>}, {pipeline_mode = #tpu.pipeline_mode<synchronous>, transform_indices = @transform_4, window_bounds = array<i64: 1, 128>}, {pipeline_mode = #tpu.pipeline_mode<synchronous>, transform_indices = @transform_5, window_bounds = array<i64: 128, 256>}, {transform_indices = @transform_6, window_bounds = array<i64: 1, 4096, 128>}, {pipeline_mode = #tpu.pipeline_mode<synchronous>, transform_indices = @transform_7, window_bounds = array<i64: 2, 128>}]} {
    %get3A = arith.constant 0 : index
    %get3A_0 = arith.constant 0 : index
    %get3A_1 = vector.load %arg2[%get3A, %get3A_0] : memref<4096x256xf32, #tpu.memory_space<vmem>>, vector<4096x256xf32>
    %get3A_2 = arith.constant 0 : index
    %get3A_3 = arith.constant 0 : index
    %get3A_4 = vector.load %arg7[%get3A_2, %get3A_3] : memref<128x256xf32, #tpu.memory_space<vmem>>, vector<128x256xf32>
    %dot_general3A = arith.constant dense<0.000000e+00> : vector<4096x128xf32>
    %dot_general3A_5 = tpu.matmul %get3A_1, %get3A_4, %dot_general3A {dimension_numbers = #tpu.dot_dimension_numbers<[1], [1], [0], [0], [0, 0, 1, 0], [], []>, transpose_lhs_hint = false} : vector<4096x256xf32>, vector<128x256xf32>, vector<4096x128xf32> -> vector<4096x128xf32>
    %slice3A = vector.extract_strided_slice %get3A_4 {offsets = [0, 0], sizes = [128, 3], strides = [1, 1]} : vector<128x256xf32> to vector<128x3xf32>
    %get3A_6 = arith.constant 0 : index
    %get3A_7 = arith.constant 0 : index
    %get3A_8 = arith.constant 0 : index
    %get3A_9 = vector.load %arg3[%get3A_6, %get3A_7, %get3A_8] : memref<1x128x3xf32, #tpu.memory_space<vmem>>, vector<1x128x3xf32>
    %get3A_10 = vector.shape_cast %get3A_9 : vector<1x128x3xf32> to vector<128x3xf32>
    %dot_general3A_11 = arith.constant dense<0.000000e+00> : vector<128x128xf32>
    %dot_general3A_12 = tpu.matmul %get3A_10, %slice3A, %dot_general3A_11 {dimension_numbers = #tpu.dot_dimension_numbers<[1], [1], [0], [0], [0, 0, 1, 0], [], []>, precision = #tpu.contract_precision<fp32>, transpose_lhs_hint = false} : vector<128x3xf32>, vector<128x3xf32>, vector<128x128xf32> -> vector<128x128xf32>
    %reshape3A = vector.shape_cast %dot_general3A_5 : vector<4096x128xf32> to vector<128x32x128xf32>
    %broadcast_in_dim3A = vector.shape_cast %dot_general3A_12 : vector<128x128xf32> to vector<128x1x128xf32>
    %sub3A = vector.broadcast %broadcast_in_dim3A : vector<128x1x128xf32> to vector<128x32x128xf32>
    %sub3A_13 = arith.subf %reshape3A, %sub3A : vector<128x32x128xf32>
    %reshape3A_14 = vector.shape_cast %sub3A_13 : vector<128x32x128xf32> to vector<4096x128xf32>
    %get3A_15 = arith.constant 0 : index
    %get3A_16 = arith.constant 0 : index
    %get3A_17 = arith.constant 0 : index
    %get3A_18 = vector.load %arg4[%get3A_15, %get3A_16, %get3A_17] : memref<1x1x256xf32, #tpu.memory_space<vmem>>, vector<1x1x256xf32>
    %get3A_19 = vector.shape_cast %get3A_18 : vector<1x1x256xf32> to vector<1x256xf32>
    %mul3A = arith.constant 5.000000e-01 : f32
    %mul3A_20 = vector.broadcast %mul3A : f32 to vector<1x256xf32>
    %mul3A_21 = arith.mulf %mul3A_20, %get3A_19 : vector<1x256xf32>
    %mul3A_22 = arith.constant 0.707106769 : f32
    %mul3A_23 = vector.broadcast %mul3A_22 : f32 to vector<1x256xf32>
    %mul3A_24 = arith.mulf %get3A_19, %mul3A_23 : vector<1x256xf32>
    %erf3A = math.erf %mul3A_24 : vector<1x256xf32>
    %add3A = arith.constant 1.000000e+00 : f32
    %add3A_25 = vector.broadcast %add3A : f32 to vector<1x256xf32>
    %add3A_26 = arith.addf %add3A_25, %erf3A : vector<1x256xf32>
    %mul3A_27 = arith.mulf %mul3A_21, %add3A_26 : vector<1x256xf32>
    %get3A_28 = arith.constant 0 : index
    %get3A_29 = arith.constant 0 : index
    %get3A_30 = vector.load %arg5[%get3A_28, %get3A_29] : memref<128x256xf32, #tpu.memory_space<vmem>>, vector<128x256xf32>
    %dot_general3A_31 = arith.constant dense<0.000000e+00> : vector<1x128xf32>
    %dot_general3A_32 = tpu.matmul %mul3A_27, %get3A_30, %dot_general3A_31 {dimension_numbers = #tpu.dot_dimension_numbers<[1], [1], [0], [0], [0, 0, 1, 0], [], []>, transpose_lhs_hint = false} : vector<1x256xf32>, vector<128x256xf32>, vector<1x128xf32> -> vector<1x128xf32>
    %get3A_33 = arith.constant 0 : index
    %get3A_34 = arith.constant 0 : index
    %get3A_35 = vector.load %arg6[%get3A_33, %get3A_34] : memref<1x128xf32, #tpu.memory_space<vmem>>, vector<1x128xf32>
    %add3A_36 = arith.addf %dot_general3A_32, %get3A_35 : vector<1x128xf32>
    %add3A_37 = vector.broadcast %add3A_36 : vector<1x128xf32> to vector<4096x128xf32>
    %add3A_38 = arith.addf %reshape3A_14, %add3A_37 : vector<4096x128xf32>
    %eq3A = arith.constant 0 : i32
    %eq3A_39 = arith.cmpi eq, %arg0, %eq3A : i32
    %eq3A_40 = arith.constant 0 : i32
    %eq3A_41 = arith.cmpi eq, %arg1, %eq3A_40 : i32
    %and3A = arith.andi %eq3A_39, %eq3A_41 : i1
    %convert_element_type3A = arith.extui %and3A : i1 to i32
    %cond3A = arith.constant 0 : i32
    %cond3A_42 = arith.cmpi ne, %convert_element_type3A, %cond3A : i32
    scf.if %cond3A_42 {
      %broadcast_in_dim3A_68 = arith.constant 0.000000e+00 : f32
      %broadcast_in_dim3A_69 = vector.broadcast %broadcast_in_dim3A_68 : f32 to vector<2x128xf32>
      %swap3A_70 = arith.constant 0 : index
      %swap3A_71 = arith.constant 0 : index
      %swap3A_72 = vector.load %arg9[%swap3A_70, %swap3A_71] : memref<2x128xf32, #tpu.memory_space<vmem>>, vector<2x128xf32>
      tpu.vector_store %arg9[%swap3A_70, %swap3A_71], %broadcast_in_dim3A_69 {strides = array<i32>} : memref<2x128xf32, #tpu.memory_space<vmem>>, vector<2x128xf32>,
    } else {
    }
    %get3A_43 = arith.constant 0 : index
    %get3A_44 = arith.constant 0 : index
    %get3A_45 = vector.load %arg9[%get3A_43, %get3A_44] : memref<2x128xf32, #tpu.memory_space<vmem>>, vector<1x128xf32>
    %reduce_sum3A = arith.constant dense<0.000000e+00> : vector<128xf32>
    %reduce_sum3A_46 = vector.multi_reduction <add>, %add3A_38, %reduce_sum3A [0] : vector<4096x128xf32> to vector<128xf32>
    %broadcast_in_dim3A_47 = vector.shape_cast %reduce_sum3A_46 : vector<128xf32> to vector<1x128xf32>
    %add3A_48 = arith.addf %get3A_45, %broadcast_in_dim3A_47 : vector<1x128xf32>
    %swap3A = arith.constant 0 : index
    %swap3A_49 = arith.constant 0 : index
    %swap3A_50 = vector.load %arg9[%swap3A, %swap3A_49] : memref<2x128xf32, #tpu.memory_space<vmem>>, vector<1x128xf32>
    tpu.vector_store %arg9[%swap3A, %swap3A_49], %add3A_48 {strides = array<i32>} : memref<2x128xf32, #tpu.memory_space<vmem>>, vector<1x128xf32>,
    %get3A_51 = arith.constant 1 : index
    %get3A_52 = arith.constant 0 : index
    %get3A_53 = vector.load %arg9[%get3A_51, %get3A_52] : memref<2x128xf32, #tpu.memory_space<vmem>>, vector<1x128xf32>
    %mul3A_54 = arith.mulf %add3A_38, %add3A_38 : vector<4096x128xf32>
    %reduce_sum3A_55 = arith.constant dense<0.000000e+00> : vector<128xf32>
    %reduce_sum3A_56 = vector.multi_reduction <add>, %mul3A_54, %reduce_sum3A_55 [0] : vector<4096x128xf32> to vector<128xf32>
    %broadcast_in_dim3A_57 = vector.shape_cast %reduce_sum3A_56 : vector<128xf32> to vector<1x128xf32>
    %add3A_58 = arith.addf %get3A_53, %broadcast_in_dim3A_57 : vector<1x128xf32>
    %swap3A_59 = arith.constant 1 : index
    %swap3A_60 = arith.constant 0 : index
    %swap3A_61 = vector.load %arg9[%swap3A_59, %swap3A_60] : memref<2x128xf32, #tpu.memory_space<vmem>>, vector<1x128xf32>
    tpu.vector_store %arg9[%swap3A_59, %swap3A_60], %add3A_58 {strides = array<i32>} : memref<2x128xf32, #tpu.memory_space<vmem>>, vector<1x128xf32>,
    %swap3A_62 = arith.constant 0 : index
    %swap3A_63 = arith.constant 0 : index
    %swap3A_64 = arith.constant 0 : index
    %swap3A_65 = vector.load %arg8[%swap3A_62, %swap3A_63, %swap3A_64] : memref<1x4096x128xf32, #tpu.memory_space<vmem>>, vector<1x4096x128xf32>
    %swap3A_66 = vector.shape_cast %swap3A_65 : vector<1x4096x128xf32> to vector<4096x128xf32>
    %swap3A_67 = vector.shape_cast %add3A_38 : vector<4096x128xf32> to vector<1x4096x128xf32>
    tpu.vector_store %arg8[%swap3A_62, %swap3A_63, %swap3A_64], %swap3A_67 {strides = array<i32>} : memref<1x4096x128xf32, #tpu.memory_space<vmem>>, vector<1x4096x128xf32>,
    return
  }
  func.func @transform_0(%arg0: i32, %arg1: i32) -> (i32, i32) {
    %mul3A = arith.constant 4 : i32
    %mul3A_0 = arith.muli %arg0, %mul3A : i32
    %add3A = arith.addi %mul3A_0, %arg1 : i32
    %c0_i32 = arith.constant 0 : i32
    %c0_i32_1 = arith.constant 0 : i32
    return %add3A, %c0_i32 : i32, i32
  }
  func.func @transform_1(%arg0: i32, %arg1: i32) -> (i32, i32, i32) {
    %c0_i32 = arith.constant 0 : i32
    %c0_i32_0 = arith.constant 0 : i32
    return %arg0, %arg1, %c0_i32 : i32, i32, i32
  }
  func.func @transform_2(%arg0: i32, %arg1: i32) -> (i32, i32, i32) {
    %c0_i32 = arith.constant 0 : i32
    %c0_i32_0 = arith.constant 0 : i32
    %c0_i32_1 = arith.constant 0 : i32
    return %arg0, %c0_i32, %c0_i32_0 : i32, i32, i32
  }
  func.func @transform_3(%arg0: i32, %arg1: i32) -> (i32, i32) {
    %c0_i32 = arith.constant 0 : i32
    %c0_i32_0 = arith.constant 0 : i32
    %c0_i32_1 = arith.constant 0 : i32
    return %c0_i32, %c0_i32_0 : i32, i32
  }
  func.func @transform_4(%arg0: i32, %arg1: i32) -> (i32, i32) {
    %c0_i32 = arith.constant 0 : i32
    %c0_i32_0 = arith.constant 0 : i32
    %c0_i32_1 = arith.constant 0 : i32
    return %c0_i32, %c0_i32_0 : i32, i32
  }
  func.func @transform_5(%arg0: i32, %arg1: i32) -> (i32, i32) {
    %c0_i32 = arith.constant 0 : i32
    %c0_i32_0 = arith.constant 0 : i32
    %c0_i32_1 = arith.constant 0 : i32
    return %c0_i32, %c0_i32_0 : i32, i32
  }
  func.func @transform_6(%arg0: i32, %arg1: i32) -> (i32, i32, i32) {
    %c0_i32 = arith.constant 0 : i32
    %c0_i32_0 = arith.constant 0 : i32
    return %arg0, %arg1, %c0_i32 : i32, i32, i32
  }
  func.func @transform_7(%arg0: i32, %arg1: i32) -> (i32, i32) {
    %c0_i32 = arith.constant 0 : i32
    %c0_i32_0 = arith.constant 0 : i32
    %c0_i32_1 = arith.constant 0 : i32
    return %c0_i32, %c0_i32_0 : i32, i32
  }
}

module attributes {stable_mosaic.version = 14 : i64} {
  func.func @_convn_kernel(%arg0: i32, %arg1: i32, %arg2: memref<1x4096x128xf32, #tpu.memory_space<vmem>>, %arg3: memref<2x128xf32, #tpu.memory_space<vmem>>, %arg4: memref<1x128xf32, #tpu.memory_space<vmem>>, %arg5: memref<1x128xf32, #tpu.memory_space<vmem>>, %arg6: memref<1x1x256xf32, #tpu.memory_space<vmem>>, %arg7: memref<128x256xf32, #tpu.memory_space<vmem>>, %arg8: memref<1x128xf32, #tpu.memory_space<vmem>>, %arg9: memref<128x128xf32, #tpu.memory_space<vmem>>, %arg10: memref<1x4096x128xf32, #tpu.memory_space<vmem>>, %arg11: memref<2x128xf32, #tpu.memory_space<vmem>>) attributes {dimension_semantics = [#tpu.dimension_semantics<arbitrary>, #tpu.dimension_semantics<arbitrary>], iteration_bounds = array<i64: 8, 4>, scalar_prefetch = 0 : i64, scratch_operands = 0 : i64, tpu.core_type = #tpu.core_type<tc>, window_params = [{transform_indices = @transform_0, window_bounds = array<i64: 1, 4096, 128>}, {pipeline_mode = #tpu.pipeline_mode<synchronous>, transform_indices = @transform_1, window_bounds = array<i64: 2, 128>}, {pipeline_mode = #tpu.pipeline_mode<synchronous>, transform_indices = @transform_2, window_bounds = array<i64: 1, 128>}, {pipeline_mode = #tpu.pipeline_mode<synchronous>, transform_indices = @transform_3, window_bounds = array<i64: 1, 128>}, {transform_indices = @transform_4, window_bounds = array<i64: 1, 1, 256>}, {pipeline_mode = #tpu.pipeline_mode<synchronous>, transform_indices = @transform_5, window_bounds = array<i64: 128, 256>}, {pipeline_mode = #tpu.pipeline_mode<synchronous>, transform_indices = @transform_6, window_bounds = array<i64: 1, 128>}, {pipeline_mode = #tpu.pipeline_mode<synchronous>, transform_indices = @transform_7, window_bounds = array<i64: 128, 128>}, {transform_indices = @transform_8, window_bounds = array<i64: 1, 4096, 128>}, {pipeline_mode = #tpu.pipeline_mode<synchronous>, transform_indices = @transform_9, window_bounds = array<i64: 2, 128>}]} {
    %get3A = arith.constant 0 : index
    %get3A_0 = arith.constant 0 : index
    %get3A_1 = arith.constant 0 : index
    %get3A_2 = vector.load %arg2[%get3A, %get3A_0, %get3A_1] : memref<1x4096x128xf32, #tpu.memory_space<vmem>>, vector<1x4096x128xf32>
    %get3A_3 = vector.shape_cast %get3A_2 : vector<1x4096x128xf32> to vector<4096x128xf32>
    %get3A_4 = arith.constant 0 : index
    %get3A_5 = arith.constant 0 : index
    %get3A_6 = vector.load %arg3[%get3A_4, %get3A_5] : memref<2x128xf32, #tpu.memory_space<vmem>>, vector<1x128xf32>
    %mul3A = arith.constant 3.81469727E-6 : f32
    %mul3A_7 = vector.broadcast %mul3A : f32 to vector<1x128xf32>
    %mul3A_8 = arith.mulf %get3A_6, %mul3A_7 : vector<1x128xf32>
    %get3A_9 = arith.constant 1 : index
    %get3A_10 = arith.constant 0 : index
    %get3A_11 = vector.load %arg3[%get3A_9, %get3A_10] : memref<2x128xf32, #tpu.memory_space<vmem>>, vector<1x128xf32>
    %mul3A_12 = arith.constant 3.81469727E-6 : f32
    %mul3A_13 = vector.broadcast %mul3A_12 : f32 to vector<1x128xf32>
    %mul3A_14 = arith.mulf %get3A_11, %mul3A_13 : vector<1x128xf32>
    %mul3A_15 = arith.mulf %mul3A_8, %mul3A_8 : vector<1x128xf32>
    %sub3A = arith.subf %mul3A_14, %mul3A_15 : vector<1x128xf32>
    %add3A = arith.constant 9.99999974E-6 : f32
    %add3A_16 = vector.broadcast %add3A : f32 to vector<1x128xf32>
    %add3A_17 = arith.addf %sub3A, %add3A_16 : vector<1x128xf32>
    %sqrt3A = math.sqrt %add3A_17 : vector<1x128xf32>
    %sub3A_18 = vector.broadcast %mul3A_8 : vector<1x128xf32> to vector<4096x128xf32>
    %sub3A_19 = arith.subf %get3A_3, %sub3A_18 : vector<4096x128xf32>
    %div3A = vector.broadcast %sqrt3A : vector<1x128xf32> to vector<4096x128xf32>
    %div3A_20 = arith.divf %sub3A_19, %div3A : vector<4096x128xf32>
    %get3A_21 = arith.constant 0 : index
    %get3A_22 = arith.constant 0 : index
    %get3A_23 = vector.load %arg4[%get3A_21, %get3A_22] : memref<1x128xf32, #tpu.memory_space<vmem>>, vector<1x128xf32>
    %mul3A_24 = vector.broadcast %get3A_23 : vector<1x128xf32> to vector<4096x128xf32>
    %mul3A_25 = arith.mulf %div3A_20, %mul3A_24 : vector<4096x128xf32>
    %get3A_26 = arith.constant 0 : index
    %get3A_27 = arith.constant 0 : index
    %get3A_28 = vector.load %arg5[%get3A_26, %get3A_27] : memref<1x128xf32, #tpu.memory_space<vmem>>, vector<1x128xf32>
    %add3A_29 = vector.broadcast %get3A_28 : vector<1x128xf32> to vector<4096x128xf32>
    %add3A_30 = arith.addf %mul3A_25, %add3A_29 : vector<4096x128xf32>
    %mul3A_31 = arith.constant 5.000000e-01 : f32
    %mul3A_32 = vector.broadcast %mul3A_31 : f32 to vector<4096x128xf32>
    %mul3A_33 = arith.mulf %mul3A_32, %add3A_30 : vector<4096x128xf32>
    %mul3A_34 = arith.constant 0.707106769 : f32
    %mul3A_35 = vector.broadcast %mul3A_34 : f32 to vector<4096x128xf32>
    %mul3A_36 = arith.mulf %add3A_30, %mul3A_35 : vector<4096x128xf32>
    %erf3A = math.erf %mul3A_36 : vector<4096x128xf32>
    %add3A_37 = arith.constant 1.000000e+00 : f32
    %add3A_38 = vector.broadcast %add3A_37 : f32 to vector<4096x128xf32>
    %add3A_39 = arith.addf %add3A_38, %erf3A : vector<4096x128xf32>
    %mul3A_40 = arith.mulf %mul3A_33, %add3A_39 : vector<4096x128xf32>
    %get3A_41 = arith.constant 0 : index
    %get3A_42 = arith.constant 0 : index
    %get3A_43 = vector.load %arg9[%get3A_41, %get3A_42] : memref<128x128xf32, #tpu.memory_space<vmem>>, vector<128x128xf32>
    %dot_general3A = arith.constant dense<0.000000e+00> : vector<4096x128xf32>
    %dot_general3A_44 = tpu.matmul %mul3A_40, %get3A_43, %dot_general3A {dimension_numbers = #tpu.dot_dimension_numbers<[1], [1], [0], [0], [0, 0, 1, 0], [], []>, transpose_lhs_hint = false} : vector<4096x128xf32>, vector<128x128xf32>, vector<4096x128xf32> -> vector<4096x128xf32>
    %get3A_45 = arith.constant 0 : index
    %get3A_46 = arith.constant 0 : index
    %get3A_47 = arith.constant 0 : index
    %get3A_48 = vector.load %arg6[%get3A_45, %get3A_46, %get3A_47] : memref<1x1x256xf32, #tpu.memory_space<vmem>>, vector<1x1x256xf32>
    %get3A_49 = vector.shape_cast %get3A_48 : vector<1x1x256xf32> to vector<1x256xf32>
    %mul3A_50 = arith.constant 5.000000e-01 : f32
    %mul3A_51 = vector.broadcast %mul3A_50 : f32 to vector<1x256xf32>
    %mul3A_52 = arith.mulf %mul3A_51, %get3A_49 : vector<1x256xf32>
    %mul3A_53 = arith.constant 0.707106769 : f32
    %mul3A_54 = vector.broadcast %mul3A_53 : f32 to vector<1x256xf32>
    %mul3A_55 = arith.mulf %get3A_49, %mul3A_54 : vector<1x256xf32>
    %erf3A_56 = math.erf %mul3A_55 : vector<1x256xf32>
    %add3A_57 = arith.constant 1.000000e+00 : f32
    %add3A_58 = vector.broadcast %add3A_57 : f32 to vector<1x256xf32>
    %add3A_59 = arith.addf %add3A_58, %erf3A_56 : vector<1x256xf32>
    %mul3A_60 = arith.mulf %mul3A_52, %add3A_59 : vector<1x256xf32>
    %get3A_61 = arith.constant 0 : index
    %get3A_62 = arith.constant 0 : index
    %get3A_63 = vector.load %arg7[%get3A_61, %get3A_62] : memref<128x256xf32, #tpu.memory_space<vmem>>, vector<128x256xf32>
    %dot_general3A_64 = arith.constant dense<0.000000e+00> : vector<1x128xf32>
    %dot_general3A_65 = tpu.matmul %mul3A_60, %get3A_63, %dot_general3A_64 {dimension_numbers = #tpu.dot_dimension_numbers<[1], [1], [0], [0], [0, 0, 1, 0], [], []>, transpose_lhs_hint = false} : vector<1x256xf32>, vector<128x256xf32>, vector<1x128xf32> -> vector<1x128xf32>
    %get3A_66 = arith.constant 0 : index
    %get3A_67 = arith.constant 0 : index
    %get3A_68 = vector.load %arg8[%get3A_66, %get3A_67] : memref<1x128xf32, #tpu.memory_space<vmem>>, vector<1x128xf32>
    %add3A_69 = arith.addf %dot_general3A_65, %get3A_68 : vector<1x128xf32>
    %add3A_70 = vector.broadcast %add3A_69 : vector<1x128xf32> to vector<4096x128xf32>
    %add3A_71 = arith.addf %dot_general3A_44, %add3A_70 : vector<4096x128xf32>
    %eq3A = arith.constant 0 : i32
    %eq3A_72 = arith.cmpi eq, %arg0, %eq3A : i32
    %eq3A_73 = arith.constant 0 : i32
    %eq3A_74 = arith.cmpi eq, %arg1, %eq3A_73 : i32
    %and3A = arith.andi %eq3A_72, %eq3A_74 : i1
    %convert_element_type3A = arith.extui %and3A : i1 to i32
    %cond3A = arith.constant 0 : i32
    %cond3A_75 = arith.cmpi ne, %convert_element_type3A, %cond3A : i32
    scf.if %cond3A_75 {
      %broadcast_in_dim3A_100 = arith.constant 0.000000e+00 : f32
      %broadcast_in_dim3A_101 = vector.broadcast %broadcast_in_dim3A_100 : f32 to vector<2x128xf32>
      %swap3A_102 = arith.constant 0 : index
      %swap3A_103 = arith.constant 0 : index
      %swap3A_104 = vector.load %arg11[%swap3A_102, %swap3A_103] : memref<2x128xf32, #tpu.memory_space<vmem>>, vector<2x128xf32>
      tpu.vector_store %arg11[%swap3A_102, %swap3A_103], %broadcast_in_dim3A_101 {strides = array<i32>} : memref<2x128xf32, #tpu.memory_space<vmem>>, vector<2x128xf32>,
    } else {
    }
    %get3A_76 = arith.constant 0 : index
    %get3A_77 = arith.constant 0 : index
    %get3A_78 = vector.load %arg11[%get3A_76, %get3A_77] : memref<2x128xf32, #tpu.memory_space<vmem>>, vector<1x128xf32>
    %reduce_sum3A = arith.constant dense<0.000000e+00> : vector<128xf32>
    %reduce_sum3A_79 = vector.multi_reduction <add>, %add3A_71, %reduce_sum3A [0] : vector<4096x128xf32> to vector<128xf32>
    %broadcast_in_dim3A = vector.shape_cast %reduce_sum3A_79 : vector<128xf32> to vector<1x128xf32>
    %add3A_80 = arith.addf %get3A_78, %broadcast_in_dim3A : vector<1x128xf32>
    %swap3A = arith.constant 0 : index
    %swap3A_81 = arith.constant 0 : index
    %swap3A_82 = vector.load %arg11[%swap3A, %swap3A_81] : memref<2x128xf32, #tpu.memory_space<vmem>>, vector<1x128xf32>
    tpu.vector_store %arg11[%swap3A, %swap3A_81], %add3A_80 {strides = array<i32>} : memref<2x128xf32, #tpu.memory_space<vmem>>, vector<1x128xf32>,
    %get3A_83 = arith.constant 1 : index
    %get3A_84 = arith.constant 0 : index
    %get3A_85 = vector.load %arg11[%get3A_83, %get3A_84] : memref<2x128xf32, #tpu.memory_space<vmem>>, vector<1x128xf32>
    %mul3A_86 = arith.mulf %add3A_71, %add3A_71 : vector<4096x128xf32>
    %reduce_sum3A_87 = arith.constant dense<0.000000e+00> : vector<128xf32>
    %reduce_sum3A_88 = vector.multi_reduction <add>, %mul3A_86, %reduce_sum3A_87 [0] : vector<4096x128xf32> to vector<128xf32>
    %broadcast_in_dim3A_89 = vector.shape_cast %reduce_sum3A_88 : vector<128xf32> to vector<1x128xf32>
    %add3A_90 = arith.addf %get3A_85, %broadcast_in_dim3A_89 : vector<1x128xf32>
    %swap3A_91 = arith.constant 1 : index
    %swap3A_92 = arith.constant 0 : index
    %swap3A_93 = vector.load %arg11[%swap3A_91, %swap3A_92] : memref<2x128xf32, #tpu.memory_space<vmem>>, vector<1x128xf32>
    tpu.vector_store %arg11[%swap3A_91, %swap3A_92], %add3A_90 {strides = array<i32>} : memref<2x128xf32, #tpu.memory_space<vmem>>, vector<1x128xf32>,
    %swap3A_94 = arith.constant 0 : index
    %swap3A_95 = arith.constant 0 : index
    %swap3A_96 = arith.constant 0 : index
    %swap3A_97 = vector.load %arg10[%swap3A_94, %swap3A_95, %swap3A_96] : memref<1x4096x128xf32, #tpu.memory_space<vmem>>, vector<1x4096x128xf32>
    %swap3A_98 = vector.shape_cast %swap3A_97 : vector<1x4096x128xf32> to vector<4096x128xf32>
    %swap3A_99 = vector.shape_cast %add3A_71 : vector<4096x128xf32> to vector<1x4096x128xf32>
    tpu.vector_store %arg10[%swap3A_94, %swap3A_95, %swap3A_96], %swap3A_99 {strides = array<i32>} : memref<1x4096x128xf32, #tpu.memory_space<vmem>>, vector<1x4096x128xf32>,
    return
  }
  func.func @transform_0(%arg0: i32, %arg1: i32) -> (i32, i32, i32) {
    %c0_i32 = arith.constant 0 : i32
    %c0_i32_0 = arith.constant 0 : i32
    return %arg0, %arg1, %c0_i32 : i32, i32, i32
  }
  func.func @transform_1(%arg0: i32, %arg1: i32) -> (i32, i32) {
    %c0_i32 = arith.constant 0 : i32
    %c0_i32_0 = arith.constant 0 : i32
    %c0_i32_1 = arith.constant 0 : i32
    return %c0_i32, %c0_i32_0 : i32, i32
  }
  func.func @transform_2(%arg0: i32, %arg1: i32) -> (i32, i32) {
    %c0_i32 = arith.constant 0 : i32
    %c0_i32_0 = arith.constant 0 : i32
    %c0_i32_1 = arith.constant 0 : i32
    return %c0_i32, %c0_i32_0 : i32, i32
  }
  func.func @transform_3(%arg0: i32, %arg1: i32) -> (i32, i32) {
    %c0_i32 = arith.constant 0 : i32
    %c0_i32_0 = arith.constant 0 : i32
    %c0_i32_1 = arith.constant 0 : i32
    return %c0_i32, %c0_i32_0 : i32, i32
  }
  func.func @transform_4(%arg0: i32, %arg1: i32) -> (i32, i32, i32) {
    %c0_i32 = arith.constant 0 : i32
    %c0_i32_0 = arith.constant 0 : i32
    %c0_i32_1 = arith.constant 0 : i32
    return %arg0, %c0_i32, %c0_i32_0 : i32, i32, i32
  }
  func.func @transform_5(%arg0: i32, %arg1: i32) -> (i32, i32) {
    %c0_i32 = arith.constant 0 : i32
    %c0_i32_0 = arith.constant 0 : i32
    %c0_i32_1 = arith.constant 0 : i32
    return %c0_i32, %c0_i32_0 : i32, i32
  }
  func.func @transform_6(%arg0: i32, %arg1: i32) -> (i32, i32) {
    %c0_i32 = arith.constant 0 : i32
    %c0_i32_0 = arith.constant 0 : i32
    %c0_i32_1 = arith.constant 0 : i32
    return %c0_i32, %c0_i32_0 : i32, i32
  }
  func.func @transform_7(%arg0: i32, %arg1: i32) -> (i32, i32) {
    %c0_i32 = arith.constant 0 : i32
    %c0_i32_0 = arith.constant 0 : i32
    %c0_i32_1 = arith.constant 0 : i32
    return %c0_i32, %c0_i32_0 : i32, i32
  }
  func.func @transform_8(%arg0: i32, %arg1: i32) -> (i32, i32, i32) {
    %c0_i32 = arith.constant 0 : i32
    %c0_i32_0 = arith.constant 0 : i32
    return %arg0, %arg1, %c0_i32 : i32, i32, i32
  }
  func.func @transform_9(%arg0: i32, %arg1: i32) -> (i32, i32) {
    %c0_i32 = arith.constant 0 : i32
    %c0_i32_0 = arith.constant 0 : i32
    %c0_i32_1 = arith.constant 0 : i32
    return %c0_i32, %c0_i32_0 : i32, i32
  }
}

module attributes {stable_mosaic.version = 14 : i64} {
  func.func @_convn_kernel(%arg0: i32, %arg1: i32, %arg2: memref<1x4096x128xf32, #tpu.memory_space<vmem>>, %arg3: memref<2x128xf32, #tpu.memory_space<vmem>>, %arg4: memref<1x128xf32, #tpu.memory_space<vmem>>, %arg5: memref<1x128xf32, #tpu.memory_space<vmem>>, %arg6: memref<1x1x256xf32, #tpu.memory_space<vmem>>, %arg7: memref<256x256xf32, #tpu.memory_space<vmem>>, %arg8: memref<1x256xf32, #tpu.memory_space<vmem>>, %arg9: memref<256x128xf32, #tpu.memory_space<vmem>>, %arg10: memref<1x4096x256xf32, #tpu.memory_space<vmem>>, %arg11: memref<2x256xf32, #tpu.memory_space<vmem>>) attributes {dimension_semantics = [#tpu.dimension_semantics<arbitrary>, #tpu.dimension_semantics<arbitrary>], iteration_bounds = array<i64: 8, 4>, scalar_prefetch = 0 : i64, scratch_operands = 0 : i64, tpu.core_type = #tpu.core_type<tc>, window_params = [{transform_indices = @transform_0, window_bounds = array<i64: 1, 4096, 128>}, {pipeline_mode = #tpu.pipeline_mode<synchronous>, transform_indices = @transform_1, window_bounds = array<i64: 2, 128>}, {pipeline_mode = #tpu.pipeline_mode<synchronous>, transform_indices = @transform_2, window_bounds = array<i64: 1, 128>}, {pipeline_mode = #tpu.pipeline_mode<synchronous>, transform_indices = @transform_3, window_bounds = array<i64: 1, 128>}, {transform_indices = @transform_4, window_bounds = array<i64: 1, 1, 256>}, {pipeline_mode = #tpu.pipeline_mode<synchronous>, transform_indices = @transform_5, window_bounds = array<i64: 256, 256>}, {pipeline_mode = #tpu.pipeline_mode<synchronous>, transform_indices = @transform_6, window_bounds = array<i64: 1, 256>}, {pipeline_mode = #tpu.pipeline_mode<synchronous>, transform_indices = @transform_7, window_bounds = array<i64: 256, 128>}, {transform_indices = @transform_8, window_bounds = array<i64: 1, 4096, 256>}, {pipeline_mode = #tpu.pipeline_mode<synchronous>, transform_indices = @transform_9, window_bounds = array<i64: 2, 256>}]} {
    %get3A = arith.constant 0 : index
    %get3A_0 = arith.constant 0 : index
    %get3A_1 = arith.constant 0 : index
    %get3A_2 = vector.load %arg2[%get3A, %get3A_0, %get3A_1] : memref<1x4096x128xf32, #tpu.memory_space<vmem>>, vector<1x4096x128xf32>
    %get3A_3 = vector.shape_cast %get3A_2 : vector<1x4096x128xf32> to vector<4096x128xf32>
    %get3A_4 = arith.constant 0 : index
    %get3A_5 = arith.constant 0 : index
    %get3A_6 = vector.load %arg3[%get3A_4, %get3A_5] : memref<2x128xf32, #tpu.memory_space<vmem>>, vector<1x128xf32>
    %mul3A = arith.constant 3.81469727E-6 : f32
    %mul3A_7 = vector.broadcast %mul3A : f32 to vector<1x128xf32>
    %mul3A_8 = arith.mulf %get3A_6, %mul3A_7 : vector<1x128xf32>
    %get3A_9 = arith.constant 1 : index
    %get3A_10 = arith.constant 0 : index
    %get3A_11 = vector.load %arg3[%get3A_9, %get3A_10] : memref<2x128xf32, #tpu.memory_space<vmem>>, vector<1x128xf32>
    %mul3A_12 = arith.constant 3.81469727E-6 : f32
    %mul3A_13 = vector.broadcast %mul3A_12 : f32 to vector<1x128xf32>
    %mul3A_14 = arith.mulf %get3A_11, %mul3A_13 : vector<1x128xf32>
    %mul3A_15 = arith.mulf %mul3A_8, %mul3A_8 : vector<1x128xf32>
    %sub3A = arith.subf %mul3A_14, %mul3A_15 : vector<1x128xf32>
    %add3A = arith.constant 9.99999974E-6 : f32
    %add3A_16 = vector.broadcast %add3A : f32 to vector<1x128xf32>
    %add3A_17 = arith.addf %sub3A, %add3A_16 : vector<1x128xf32>
    %sqrt3A = math.sqrt %add3A_17 : vector<1x128xf32>
    %sub3A_18 = vector.broadcast %mul3A_8 : vector<1x128xf32> to vector<4096x128xf32>
    %sub3A_19 = arith.subf %get3A_3, %sub3A_18 : vector<4096x128xf32>
    %div3A = vector.broadcast %sqrt3A : vector<1x128xf32> to vector<4096x128xf32>
    %div3A_20 = arith.divf %sub3A_19, %div3A : vector<4096x128xf32>
    %get3A_21 = arith.constant 0 : index
    %get3A_22 = arith.constant 0 : index
    %get3A_23 = vector.load %arg4[%get3A_21, %get3A_22] : memref<1x128xf32, #tpu.memory_space<vmem>>, vector<1x128xf32>
    %mul3A_24 = vector.broadcast %get3A_23 : vector<1x128xf32> to vector<4096x128xf32>
    %mul3A_25 = arith.mulf %div3A_20, %mul3A_24 : vector<4096x128xf32>
    %get3A_26 = arith.constant 0 : index
    %get3A_27 = arith.constant 0 : index
    %get3A_28 = vector.load %arg5[%get3A_26, %get3A_27] : memref<1x128xf32, #tpu.memory_space<vmem>>, vector<1x128xf32>
    %add3A_29 = vector.broadcast %get3A_28 : vector<1x128xf32> to vector<4096x128xf32>
    %add3A_30 = arith.addf %mul3A_25, %add3A_29 : vector<4096x128xf32>
    %mul3A_31 = arith.constant 5.000000e-01 : f32
    %mul3A_32 = vector.broadcast %mul3A_31 : f32 to vector<4096x128xf32>
    %mul3A_33 = arith.mulf %mul3A_32, %add3A_30 : vector<4096x128xf32>
    %mul3A_34 = arith.constant 0.707106769 : f32
    %mul3A_35 = vector.broadcast %mul3A_34 : f32 to vector<4096x128xf32>
    %mul3A_36 = arith.mulf %add3A_30, %mul3A_35 : vector<4096x128xf32>
    %erf3A = math.erf %mul3A_36 : vector<4096x128xf32>
    %add3A_37 = arith.constant 1.000000e+00 : f32
    %add3A_38 = vector.broadcast %add3A_37 : f32 to vector<4096x128xf32>
    %add3A_39 = arith.addf %add3A_38, %erf3A : vector<4096x128xf32>
    %mul3A_40 = arith.mulf %mul3A_33, %add3A_39 : vector<4096x128xf32>
    %get3A_41 = arith.constant 0 : index
    %get3A_42 = arith.constant 0 : index
    %get3A_43 = vector.load %arg9[%get3A_41, %get3A_42] : memref<256x128xf32, #tpu.memory_space<vmem>>, vector<256x128xf32>
    %dot_general3A = arith.constant dense<0.000000e+00> : vector<4096x256xf32>
    %dot_general3A_44 = tpu.matmul %mul3A_40, %get3A_43, %dot_general3A {dimension_numbers = #tpu.dot_dimension_numbers<[1], [1], [0], [0], [0, 0, 1, 0], [], []>, transpose_lhs_hint = false} : vector<4096x128xf32>, vector<256x128xf32>, vector<4096x256xf32> -> vector<4096x256xf32>
    %get3A_45 = arith.constant 0 : index
    %get3A_46 = arith.constant 0 : index
    %get3A_47 = arith.constant 0 : index
    %get3A_48 = vector.load %arg6[%get3A_45, %get3A_46, %get3A_47] : memref<1x1x256xf32, #tpu.memory_space<vmem>>, vector<1x1x256xf32>
    %get3A_49 = vector.shape_cast %get3A_48 : vector<1x1x256xf32> to vector<1x256xf32>
    %mul3A_50 = arith.constant 5.000000e-01 : f32
    %mul3A_51 = vector.broadcast %mul3A_50 : f32 to vector<1x256xf32>
    %mul3A_52 = arith.mulf %mul3A_51, %get3A_49 : vector<1x256xf32>
    %mul3A_53 = arith.constant 0.707106769 : f32
    %mul3A_54 = vector.broadcast %mul3A_53 : f32 to vector<1x256xf32>
    %mul3A_55 = arith.mulf %get3A_49, %mul3A_54 : vector<1x256xf32>
    %erf3A_56 = math.erf %mul3A_55 : vector<1x256xf32>
    %add3A_57 = arith.constant 1.000000e+00 : f32
    %add3A_58 = vector.broadcast %add3A_57 : f32 to vector<1x256xf32>
    %add3A_59 = arith.addf %add3A_58, %erf3A_56 : vector<1x256xf32>
    %mul3A_60 = arith.mulf %mul3A_52, %add3A_59 : vector<1x256xf32>
    %get3A_61 = arith.constant 0 : index
    %get3A_62 = arith.constant 0 : index
    %get3A_63 = vector.load %arg7[%get3A_61, %get3A_62] : memref<256x256xf32, #tpu.memory_space<vmem>>, vector<256x256xf32>
    %dot_general3A_64 = arith.constant dense<0.000000e+00> : vector<1x256xf32>
    %dot_general3A_65 = tpu.matmul %mul3A_60, %get3A_63, %dot_general3A_64 {dimension_numbers = #tpu.dot_dimension_numbers<[1], [1], [0], [0], [0, 0, 1, 0], [], []>, transpose_lhs_hint = false} : vector<1x256xf32>, vector<256x256xf32>, vector<1x256xf32> -> vector<1x256xf32>
    %get3A_66 = arith.constant 0 : index
    %get3A_67 = arith.constant 0 : index
    %get3A_68 = vector.load %arg8[%get3A_66, %get3A_67] : memref<1x256xf32, #tpu.memory_space<vmem>>, vector<1x256xf32>
    %add3A_69 = arith.addf %dot_general3A_65, %get3A_68 : vector<1x256xf32>
    %add3A_70 = vector.broadcast %add3A_69 : vector<1x256xf32> to vector<4096x256xf32>
    %add3A_71 = arith.addf %dot_general3A_44, %add3A_70 : vector<4096x256xf32>
    %eq3A = arith.constant 0 : i32
    %eq3A_72 = arith.cmpi eq, %arg0, %eq3A : i32
    %eq3A_73 = arith.constant 0 : i32
    %eq3A_74 = arith.cmpi eq, %arg1, %eq3A_73 : i32
    %and3A = arith.andi %eq3A_72, %eq3A_74 : i1
    %convert_element_type3A = arith.extui %and3A : i1 to i32
    %cond3A = arith.constant 0 : i32
    %cond3A_75 = arith.cmpi ne, %convert_element_type3A, %cond3A : i32
    scf.if %cond3A_75 {
      %broadcast_in_dim3A_100 = arith.constant 0.000000e+00 : f32
      %broadcast_in_dim3A_101 = vector.broadcast %broadcast_in_dim3A_100 : f32 to vector<2x256xf32>
      %swap3A_102 = arith.constant 0 : index
      %swap3A_103 = arith.constant 0 : index
      %swap3A_104 = vector.load %arg11[%swap3A_102, %swap3A_103] : memref<2x256xf32, #tpu.memory_space<vmem>>, vector<2x256xf32>
      tpu.vector_store %arg11[%swap3A_102, %swap3A_103], %broadcast_in_dim3A_101 {strides = array<i32>} : memref<2x256xf32, #tpu.memory_space<vmem>>, vector<2x256xf32>,
    } else {
    }
    %get3A_76 = arith.constant 0 : index
    %get3A_77 = arith.constant 0 : index
    %get3A_78 = vector.load %arg11[%get3A_76, %get3A_77] : memref<2x256xf32, #tpu.memory_space<vmem>>, vector<1x256xf32>
    %reduce_sum3A = arith.constant dense<0.000000e+00> : vector<256xf32>
    %reduce_sum3A_79 = vector.multi_reduction <add>, %add3A_71, %reduce_sum3A [0] : vector<4096x256xf32> to vector<256xf32>
    %broadcast_in_dim3A = vector.shape_cast %reduce_sum3A_79 : vector<256xf32> to vector<1x256xf32>
    %add3A_80 = arith.addf %get3A_78, %broadcast_in_dim3A : vector<1x256xf32>
    %swap3A = arith.constant 0 : index
    %swap3A_81 = arith.constant 0 : index
    %swap3A_82 = vector.load %arg11[%swap3A, %swap3A_81] : memref<2x256xf32, #tpu.memory_space<vmem>>, vector<1x256xf32>
    tpu.vector_store %arg11[%swap3A, %swap3A_81], %add3A_80 {strides = array<i32>} : memref<2x256xf32, #tpu.memory_space<vmem>>, vector<1x256xf32>,
    %get3A_83 = arith.constant 1 : index
    %get3A_84 = arith.constant 0 : index
    %get3A_85 = vector.load %arg11[%get3A_83, %get3A_84] : memref<2x256xf32, #tpu.memory_space<vmem>>, vector<1x256xf32>
    %mul3A_86 = arith.mulf %add3A_71, %add3A_71 : vector<4096x256xf32>
    %reduce_sum3A_87 = arith.constant dense<0.000000e+00> : vector<256xf32>
    %reduce_sum3A_88 = vector.multi_reduction <add>, %mul3A_86, %reduce_sum3A_87 [0] : vector<4096x256xf32> to vector<256xf32>
    %broadcast_in_dim3A_89 = vector.shape_cast %reduce_sum3A_88 : vector<256xf32> to vector<1x256xf32>
    %add3A_90 = arith.addf %get3A_85, %broadcast_in_dim3A_89 : vector<1x256xf32>
    %swap3A_91 = arith.constant 1 : index
    %swap3A_92 = arith.constant 0 : index
    %swap3A_93 = vector.load %arg11[%swap3A_91, %swap3A_92] : memref<2x256xf32, #tpu.memory_space<vmem>>, vector<1x256xf32>
    tpu.vector_store %arg11[%swap3A_91, %swap3A_92], %add3A_90 {strides = array<i32>} : memref<2x256xf32, #tpu.memory_space<vmem>>, vector<1x256xf32>,
    %swap3A_94 = arith.constant 0 : index
    %swap3A_95 = arith.constant 0 : index
    %swap3A_96 = arith.constant 0 : index
    %swap3A_97 = vector.load %arg10[%swap3A_94, %swap3A_95, %swap3A_96] : memref<1x4096x256xf32, #tpu.memory_space<vmem>>, vector<1x4096x256xf32>
    %swap3A_98 = vector.shape_cast %swap3A_97 : vector<1x4096x256xf32> to vector<4096x256xf32>
    %swap3A_99 = vector.shape_cast %add3A_71 : vector<4096x256xf32> to vector<1x4096x256xf32>
    tpu.vector_store %arg10[%swap3A_94, %swap3A_95, %swap3A_96], %swap3A_99 {strides = array<i32>} : memref<1x4096x256xf32, #tpu.memory_space<vmem>>, vector<1x4096x256xf32>,
    return
  }
  func.func @transform_0(%arg0: i32, %arg1: i32) -> (i32, i32, i32) {
    %c0_i32 = arith.constant 0 : i32
    %c0_i32_0 = arith.constant 0 : i32
    return %arg0, %arg1, %c0_i32 : i32, i32, i32
  }
  func.func @transform_1(%arg0: i32, %arg1: i32) -> (i32, i32) {
    %c0_i32 = arith.constant 0 : i32
    %c0_i32_0 = arith.constant 0 : i32
    %c0_i32_1 = arith.constant 0 : i32
    return %c0_i32, %c0_i32_0 : i32, i32
  }
  func.func @transform_2(%arg0: i32, %arg1: i32) -> (i32, i32) {
    %c0_i32 = arith.constant 0 : i32
    %c0_i32_0 = arith.constant 0 : i32
    %c0_i32_1 = arith.constant 0 : i32
    return %c0_i32, %c0_i32_0 : i32, i32
  }
  func.func @transform_3(%arg0: i32, %arg1: i32) -> (i32, i32) {
    %c0_i32 = arith.constant 0 : i32
    %c0_i32_0 = arith.constant 0 : i32
    %c0_i32_1 = arith.constant 0 : i32
    return %c0_i32, %c0_i32_0 : i32, i32
  }
  func.func @transform_4(%arg0: i32, %arg1: i32) -> (i32, i32, i32) {
    %c0_i32 = arith.constant 0 : i32
    %c0_i32_0 = arith.constant 0 : i32
    %c0_i32_1 = arith.constant 0 : i32
    return %arg0, %c0_i32, %c0_i32_0 : i32, i32, i32
  }
  func.func @transform_5(%arg0: i32, %arg1: i32) -> (i32, i32) {
    %c0_i32 = arith.constant 0 : i32
    %c0_i32_0 = arith.constant 0 : i32
    %c0_i32_1 = arith.constant 0 : i32
    return %c0_i32, %c0_i32_0 : i32, i32
  }
  func.func @transform_6(%arg0: i32, %arg1: i32) -> (i32, i32) {
    %c0_i32 = arith.constant 0 : i32
    %c0_i32_0 = arith.constant 0 : i32
    %c0_i32_1 = arith.constant 0 : i32
    return %c0_i32, %c0_i32_0 : i32, i32
  }
  func.func @transform_7(%arg0: i32, %arg1: i32) -> (i32, i32) {
    %c0_i32 = arith.constant 0 : i32
    %c0_i32_0 = arith.constant 0 : i32
    %c0_i32_1 = arith.constant 0 : i32
    return %c0_i32, %c0_i32_0 : i32, i32
  }
  func.func @transform_8(%arg0: i32, %arg1: i32) -> (i32, i32, i32) {
    %c0_i32 = arith.constant 0 : i32
    %c0_i32_0 = arith.constant 0 : i32
    return %arg0, %arg1, %c0_i32 : i32, i32, i32
  }
  func.func @transform_9(%arg0: i32, %arg1: i32) -> (i32, i32) {
    %c0_i32 = arith.constant 0 : i32
    %c0_i32_0 = arith.constant 0 : i32
    %c0_i32_1 = arith.constant 0 : i32
    return %c0_i32, %c0_i32_0 : i32, i32
  }
}

module attributes {stable_mosaic.version = 14 : i64} {
  func.func @_pool_kernel(%arg0: i32, %arg1: i32, %arg2: memref<1x4096x256xf32, #tpu.memory_space<vmem>>, %arg3: memref<2x256xf32, #tpu.memory_space<vmem>>, %arg4: memref<1x256xf32, #tpu.memory_space<vmem>>, %arg5: memref<1x256xf32, #tpu.memory_space<vmem>>, %arg6: memref<1x128x256xf32, #tpu.memory_space<vmem>>) attributes {dimension_semantics = [#tpu.dimension_semantics<arbitrary>, #tpu.dimension_semantics<arbitrary>], iteration_bounds = array<i64: 8, 4>, scalar_prefetch = 0 : i64, scratch_operands = 0 : i64, tpu.core_type = #tpu.core_type<tc>, window_params = [{transform_indices = @transform_0, window_bounds = array<i64: 1, 4096, 256>}, {pipeline_mode = #tpu.pipeline_mode<synchronous>, transform_indices = @transform_1, window_bounds = array<i64: 2, 256>}, {pipeline_mode = #tpu.pipeline_mode<synchronous>, transform_indices = @transform_2, window_bounds = array<i64: 1, 256>}, {pipeline_mode = #tpu.pipeline_mode<synchronous>, transform_indices = @transform_3, window_bounds = array<i64: 1, 256>}, {transform_indices = @transform_4, window_bounds = array<i64: 1, 128, 256>}]} {
    %get3A = arith.constant 0 : index
    %get3A_0 = arith.constant 0 : index
    %get3A_1 = arith.constant 0 : index
    %get3A_2 = vector.load %arg2[%get3A, %get3A_0, %get3A_1] : memref<1x4096x256xf32, #tpu.memory_space<vmem>>, vector<1x4096x256xf32>
    %get3A_3 = vector.shape_cast %get3A_2 : vector<1x4096x256xf32> to vector<4096x256xf32>
    %get3A_4 = arith.constant 0 : index
    %get3A_5 = arith.constant 0 : index
    %get3A_6 = vector.load %arg3[%get3A_4, %get3A_5] : memref<2x256xf32, #tpu.memory_space<vmem>>, vector<1x256xf32>
    %mul3A = arith.constant 3.81469727E-6 : f32
    %mul3A_7 = vector.broadcast %mul3A : f32 to vector<1x256xf32>
    %mul3A_8 = arith.mulf %get3A_6, %mul3A_7 : vector<1x256xf32>
    %get3A_9 = arith.constant 1 : index
    %get3A_10 = arith.constant 0 : index
    %get3A_11 = vector.load %arg3[%get3A_9, %get3A_10] : memref<2x256xf32, #tpu.memory_space<vmem>>, vector<1x256xf32>
    %mul3A_12 = arith.constant 3.81469727E-6 : f32
    %mul3A_13 = vector.broadcast %mul3A_12 : f32 to vector<1x256xf32>
    %mul3A_14 = arith.mulf %get3A_11, %mul3A_13 : vector<1x256xf32>
    %mul3A_15 = arith.mulf %mul3A_8, %mul3A_8 : vector<1x256xf32>
    %sub3A = arith.subf %mul3A_14, %mul3A_15 : vector<1x256xf32>
    %add3A = arith.constant 9.99999974E-6 : f32
    %add3A_16 = vector.broadcast %add3A : f32 to vector<1x256xf32>
    %add3A_17 = arith.addf %sub3A, %add3A_16 : vector<1x256xf32>
    %sqrt3A = math.sqrt %add3A_17 : vector<1x256xf32>
    %sub3A_18 = vector.broadcast %mul3A_8 : vector<1x256xf32> to vector<4096x256xf32>
    %sub3A_19 = arith.subf %get3A_3, %sub3A_18 : vector<4096x256xf32>
    %div3A = vector.broadcast %sqrt3A : vector<1x256xf32> to vector<4096x256xf32>
    %div3A_20 = arith.divf %sub3A_19, %div3A : vector<4096x256xf32>
    %get3A_21 = arith.constant 0 : index
    %get3A_22 = arith.constant 0 : index
    %get3A_23 = vector.load %arg4[%get3A_21, %get3A_22] : memref<1x256xf32, #tpu.memory_space<vmem>>, vector<1x256xf32>
    %mul3A_24 = vector.broadcast %get3A_23 : vector<1x256xf32> to vector<4096x256xf32>
    %mul3A_25 = arith.mulf %div3A_20, %mul3A_24 : vector<4096x256xf32>
    %get3A_26 = arith.constant 0 : index
    %get3A_27 = arith.constant 0 : index
    %get3A_28 = vector.load %arg5[%get3A_26, %get3A_27] : memref<1x256xf32, #tpu.memory_space<vmem>>, vector<1x256xf32>
    %add3A_29 = vector.broadcast %get3A_28 : vector<1x256xf32> to vector<4096x256xf32>
    %add3A_30 = arith.addf %mul3A_25, %add3A_29 : vector<4096x256xf32>
    %mul3A_31 = arith.constant 5.000000e-01 : f32
    %mul3A_32 = vector.broadcast %mul3A_31 : f32 to vector<4096x256xf32>
    %mul3A_33 = arith.mulf %mul3A_32, %add3A_30 : vector<4096x256xf32>
    %mul3A_34 = arith.constant 0.707106769 : f32
    %mul3A_35 = vector.broadcast %mul3A_34 : f32 to vector<4096x256xf32>
    %mul3A_36 = arith.mulf %add3A_30, %mul3A_35 : vector<4096x256xf32>
    %erf3A = math.erf %mul3A_36 : vector<4096x256xf32>
    %add3A_37 = arith.constant 1.000000e+00 : f32
    %add3A_38 = vector.broadcast %add3A_37 : f32 to vector<4096x256xf32>
    %add3A_39 = arith.addf %add3A_38, %erf3A : vector<4096x256xf32>
    %mul3A_40 = arith.mulf %mul3A_33, %add3A_39 : vector<4096x256xf32>
    %reshape3A = vector.shape_cast %mul3A_40 : vector<4096x256xf32> to vector<128x32x256xf32>
    %reduce_max3A = arith.constant dense<0xFF800000> : vector<128x256xf32>
    %reduce_max3A_41 = vector.multi_reduction <maximumf>, %reshape3A, %reduce_max3A [1] : vector<128x32x256xf32> to vector<128x256xf32>
    %swap3A = arith.constant 0 : index
    %swap3A_42 = arith.constant 0 : index
    %swap3A_43 = arith.constant 0 : index
    %swap3A_44 = vector.load %arg6[%swap3A, %swap3A_42, %swap3A_43] : memref<1x128x256xf32, #tpu.memory_space<vmem>>, vector<1x128x256xf32>
    %swap3A_45 = vector.shape_cast %swap3A_44 : vector<1x128x256xf32> to vector<128x256xf32>
    %swap3A_46 = vector.shape_cast %reduce_max3A_41 : vector<128x256xf32> to vector<1x128x256xf32>
    tpu.vector_store %arg6[%swap3A, %swap3A_42, %swap3A_43], %swap3A_46 {strides = array<i32>} : memref<1x128x256xf32, #tpu.memory_space<vmem>>, vector<1x128x256xf32>,
    return
  }
  func.func @transform_0(%arg0: i32, %arg1: i32) -> (i32, i32, i32) {
    %c0_i32 = arith.constant 0 : i32
    %c0_i32_0 = arith.constant 0 : i32
    return %arg0, %arg1, %c0_i32 : i32, i32, i32
  }
  func.func @transform_1(%arg0: i32, %arg1: i32) -> (i32, i32) {
    %c0_i32 = arith.constant 0 : i32
    %c0_i32_0 = arith.constant 0 : i32
    %c0_i32_1 = arith.constant 0 : i32
    return %c0_i32, %c0_i32_0 : i32, i32
  }
  func.func @transform_2(%arg0: i32, %arg1: i32) -> (i32, i32) {
    %c0_i32 = arith.constant 0 : i32
    %c0_i32_0 = arith.constant 0 : i32
    %c0_i32_1 = arith.constant 0 : i32
    return %c0_i32, %c0_i32_0 : i32, i32
  }
  func.func @transform_3(%arg0: i32, %arg1: i32) -> (i32, i32) {
    %c0_i32 = arith.constant 0 : i32
    %c0_i32_0 = arith.constant 0 : i32
    %c0_i32_1 = arith.constant 0 : i32
    return %c0_i32, %c0_i32_0 : i32, i32
  }
  func.func @transform_4(%arg0: i32, %arg1: i32) -> (i32, i32, i32) {
    %c0_i32 = arith.constant 0 : i32
    %c0_i32_0 = arith.constant 0 : i32
    return %arg0, %arg1, %c0_i32 : i32, i32, i32
  }
}

</mosaic_0001>

<sc_bundles>
// kernel: kernel.15.cloned.1.call-start
scs
__scs_entry_jumppad:
0x0: {  	(pc) =	sbr.rel $0x88, $3  }
0x1: {  	(tag) =	ssettag $0x0;
	lr =	simm.s32 $0x1  }
0x2: {  	[smem:$0x3F8F] =	sst lr;
	_ =	strace $0xD0000000  }
0x3: {  	_ = 	snop  }
0x4: {  	_ = 	snop  }
0x5: {  	_ = 	snop  }
0x6: {  	_ = 	snop  }
0x7: {  	_ = 	snop  }
__scs_overlays_trampoline_lowered:
0x8: {  	[smem:$0x3F9E] =	sst s0  }
0x9: {  	[smem:$0x3F9F] =	sst s1  }
0xa: {  	[smem:$0x3FA0] =	sst s2  }
0xb: {  	[smem:$0x3FA1] =	sst s3  }
0xc: {  	[smem:$0x3FA2] =	sst s4  }
0xd: {  	[smem:$0x3FA3] =	sst s5  }
0xe: {  	[smem:$0x3FA4] =	sst s6  }
0xf: {  	[smem:$0x3FA5] =	sst s7  }
0x10: {  	[smem:$0x3FA6] =	sst s8  }
0x11: {  	[smem:$0x3FA7] =	sst s9;
	s0 =	simm.s32 @!p0 $0x0  }
0x12: {  	s1 =	sld [smem:$0x3F8D];
	s0 =	simm.s32 @p0 $0x1  }
0x13: {  	[smem:$0x3FA8] =	sst s0;
	s0 =	simm.s32 @!p1 $0x0  }
0x14: {  	s2 =	sld [smem:$0x3F8C];
	s0 =	simm.s32 @p1 $0x1  }
0x15: {  	[smem:$0x3FA9] =	sst s0;
	s0 =	simm.s32 @!p2 $0x0  }
0x16: {  	s3 =	sld [smem:$0x3FDB];
	s0 =	simm.s32 @p2 $0x1  }
0x17: {  	s4 =	simm.s32 $0x1BF5;
	[smem:$0x3FAB] =	sst s0  }
0x18: {  	s0 =	sld [smem:$0x3F8E];
	_ =	swait.ge [sflag:s4], $0x0  }
0x19: {  	s7 =	sld [smem:$0x3F8F]  }
0x1a: {  	s8 =	sadd.s32 $0xFFFFE003, lr  }
0x1b: {  	s9 =	sadd.s32 $0xFFFFFEF7, lr;
	s5 =	simm.s32 $0xFFFFFFFF;
	p2 =	slt.u32 s8, $0xFFFFF086  }
0x1c: {  	p1 =	slt.u32 s9, $0xF7A;
	s5 =	simm.s32 @!p2 $0x0  }
0x1d: {  	s5 =	simm.s32 @p1 $0x1;
	p0 =	seq.s32 s7, s2  }
0x1e: {  	s7 =	smul.u32 @!p0 $0xF7A, s2;
	p2 =	seq.s32 @!p0 s5, $0x0  }
0x1f: {  	s9 =	smul.u32 $0xF7A, s1;
	s8 =	simm.s32 @!p0 $0x1BF5;
	p2 =	por !p2, p0  }
0x20: {  	[sflag:s8] =	ssyncset.s32 @!p0 $0xFFFFF086;
	s6 =	sadd.s32 @!p0 s3, s7;
	s7 =	simm.s32 @!p0 $0x108  }
0x21: {  	s3 =	sadd.s32 s3, s9;
	s6 =	sadd.s32 @!p0 $0x88, s6;
	s7 =	simm.s32 @p2 $0x1082  }
0x22: {  	[simem:s7], [sflag:s8] =	dma.local @!p0 [hbm:s6], $0xF7A  }
0x23: {  	s9 =	sor.u32 $0xD0000000, s2;
	s6 =	simm.s32 $0x108;
	_ =	swait.ge @!p0 [sflag:s8], $0x0  }
0x24: {  	s3 =	sadd.s32 $0x88, s3;
	s6 =	simm.s32 @!p1 $0x1082;
	[sflag:s4] =	ssyncset.s32 $0xFFFFF086  }
0x25: {  	[simem:s6], [sflag:s4] =	dma.local [hbm:s3], $0xF7A  }
0x26: {  	[smem:$0x3F8F] =	sst s1;
	(tag) =	ssettag s2;
	_ =	strace s9  }
0x27: {  	s1 =	sld [smem:$0x3F9F]  }
0x28: {  	s2 =	sld [smem:$0x3FA0]  }
0x29: {  	s4 =	sld [smem:$0x3FA2]  }
0x2a: {  	p0 =	seq.s32 s5, $0x0;
	s5 =	sld [smem:$0x3FA3]  }
0x2b: {  	s6 =	sld [smem:$0x3FA4]  }
0x2c: {  	s7 =	sld [smem:$0x3FA5]  }
0x2d: {  	s3 =	simm.s32 $0x108;
	s8 =	sld [smem:$0x3FA6]  }
0x2e: {  	s3 =	simm.s32 @!p0 $0x1082;
	s9 =	sld [smem:$0x3FA7]  }
0x2f: {  	lr =	sadd.s32 s0, s3;
	s0 =	sld [smem:$0x3F9E]  }
0x30: {  	s3 =	sld [smem:$0x3FA1]  }
0x31: {  	[smem:$0x3FAA] =	sst s10  }
0x32: {  	s10 =	sld [smem:$0x3FA8];
	_ =	sdelay $0x3  }
0x33: {  	p0 =	seq.s32 s10, $0x1;
	s10 =	sld [smem:$0x3FAA];
	_ =	sdelay $0x3  }
0x34: {  	[smem:$0x3FAA] =	sst s10  }
0x35: {  	s10 =	sld [smem:$0x3FA9];
	_ =	sdelay $0x3  }
0x36: {  	p1 =	seq.s32 s10, $0x1;
	s10 =	sld [smem:$0x3FAA];
	_ =	sdelay $0x3  }
0x37: {  	[smem:$0x3FAA] =	sst s10  }
0x38: {  	s10 =	sld [smem:$0x3FAB]  }
0x39: {  	_ = 	snop;
	(pc) =	sbr.ind lr, $3  }
0x3a: {  	_ = 	snop  }
0x3b: {  	_ = 	snop  }
0x3c: {  	p2 =	seq.s32 s10, $0x1;
	s10 =	sld [smem:$0x3FAA]  }
0x3d: {  	_ =	shalt  }
0x3e: {  	_ =	shalt  }
0x3f: {  	_ =	shalt  }
0x40: {  	_ =	shalt  }
0x41: {  	_ =	shalt  }
0x42: {  	_ =	shalt  }
0x43: {  	_ =	shalt  }
0x44: {  	_ =	shalt  }
0x45: {  	_ =	shalt  }
0x46: {  	_ =	shalt  }
0x47: {  	_ =	shalt  }
0x48: {  	_ =	shalt  }
0x49: {  	_ =	shalt  }
0x4a: {  	_ =	shalt  }
0x4b: {  	_ =	shalt  }
0x4c: {  	_ =	shalt  }
0x4d: {  	_ =	shalt  }
0x4e: {  	_ =	shalt  }
0x4f: {  	_ =	shalt  }
0x50: {  	_ =	shalt  }
0x51: {  	_ =	shalt  }
0x52: {  	_ =	shalt  }
0x53: {  	_ =	shalt  }
0x54: {  	_ =	shalt  }
0x55: {  	_ =	shalt  }
0x56: {  	_ =	shalt  }
0x57: {  	_ =	shalt  }
0x58: {  	_ =	shalt  }
0x59: {  	_ =	shalt  }
0x5a: {  	_ =	shalt  }
0x5b: {  	_ =	shalt  }
0x5c: {  	_ =	shalt  }
0x5d: {  	_ =	shalt  }
0x5e: {  	_ =	shalt  }
0x5f: {  	_ =	shalt  }
0x60: {  	_ =	shalt  }
0x61: {  	_ =	shalt  }
0x62: {  	_ =	shalt  }
0x63: {  	_ =	shalt  }
0x64: {  	_ =	shalt  }
0x65: {  	_ =	shalt  }
0x66: {  	_ =	shalt  }
0x67: {  	_ =	shalt  }
0x68: {  	_ =	shalt  }
0x69: {  	_ =	shalt  }
0x6a: {  	_ =	shalt  }
0x6b: {  	_ =	shalt  }
0x6c: {  	_ =	shalt  }
0x6d: {  	_ =	shalt  }
0x6e: {  	_ =	shalt  }
0x6f: {  	_ =	shalt  }
0x70: {  	_ =	shalt  }
0x71: {  	_ =	shalt  }
0x72: {  	_ =	shalt  }
0x73: {  	_ =	shalt  }
0x74: {  	_ =	shalt  }
0x75: {  	_ =	shalt  }
0x76: {  	_ =	shalt  }
0x77: {  	_ =	shalt  }
0x78: {  	_ =	shalt  }
0x79: {  	_ =	shalt  }
0x7a: {  	_ =	shalt  }
0x7b: {  	_ =	shalt  }
0x7c: {  	_ =	shalt  }
0x7d: {  	_ =	shalt  }
0x7e: {  	_ =	shalt  }
0x7f: {  	_ =	shalt  }
0x80: {  	_ =	shalt  }
0x81: {  	_ =	shalt  }
0x82: {  	_ =	shalt  }
0x83: {  	_ =	shalt  }
0x84: {  	_ =	shalt  }
0x85: {  	_ =	shalt  }
0x86: {  	_ =	shalt  }
0x87: {  	_ =	shalt  }
.Lfunc_end0:
.L_simem_size_0:
called_computation.1_lowered:
.L_overlay_start_0:
0x88: {  	s2 =	sld [smem:$0x3FD9]  }
0x89: {  	s3 =	sld [smem:$0x3FFE];
	_ =	sdelay $0x1  }
0x8a: {  	s1 =	srdreg.scid  }
0x8b: {  	s0 =	sand.u32 $0x1, s1  }
0x8c: {  	s17 =	sshll.u32 s0, $0xA;
	s2 =	sadd.s32 s3, s2  }
0x8d: {  	s2 =	sadd.s32 s2, s17  }
0x8e: {  	[smem:$0x3FB6] =	sst s2  }
0x8f: {  	_ = 	snop  }
0x90: {  	(tm) =	ssettm $0x1  }
0x91: {  	s18 =	sld [smem:$0x3FFB];
	_ =	sdelay $0x3  }
0x92: {  	_ =	strace s18  }
0x93: {  	s2 =	sld [smem:$0x3FFC];
	_ =	sdelay $0x3  }
0x94: {  	_ =	strace s2  }
0x95: {  	s2 =	sld [smem:$0x3FFD];
	_ =	sdelay $0x3  }
0x96: {  	_ =	strace s2  }
0x97: {  	_ =	strace $0x8FFFFFFF  }
0x98: {  	s19 =	sld [smem:$0x3FDB];
	_ =	sdelay $0x1  }
0x99: {  	s20 =	simm.s32 $_scs_section_size  }
0x9a: {  	s4 =	simm.s32 $_size__tile_overlayer_lowered;
	s5 =	simm.s32 $_tile_overlayer_lowered  }
0x9b: {  	s6 =	simm.s32 $0x1BFF;
	s21 =	sshll.u32 s5, $0x1;
	s3 =	sadd.s32 s20, s19  }
0x9c: {  	s22 =	simm.s32 $0x0;
	s4 =	sshll.u32 s4, $0x1;
	s5 =	sadd.s32 s21, s3  }
0x9d: {  	[timem:s22], [sflag:s6] =	dma.local [hbm:s5], s4  }
0x9e: {  	_ =	swait.ge [sflag:s6], s4  }
0x9f: {  	s4 =	ssub.s32 $0x0, s4;
	[sflag:s6] =	ssyncset.done $0x0  }
0xa0: {  	[sflag:s6] =	ssyncadd.s32 s4;
	_ =	sdelay $0x1  }
0xa1: {  	s23 =	simm.s32 $0x1B8B  }
0xa2: {  	_ =	swait.ge [sflag:s23], $0x1  }
0xa3: {  	[sflag:s23] =	ssyncset.done $0x0  }
0xa4: {  	[sflag:s23] =	ssyncadd.s32 $0xFFFFFFFF  }
0xa5: {  	s4 =	sld [smem:$0x0]  }
0xa6: {  	s5 =	sand.u32 $0xFFFFFFFE, s1  }
0xa7: {  	p0 =	sne.s32 s1, s5  }
0xa8: {  	s5 =	sshll.u32 @p0 s5, $0xE  }
0xa9: {  	s5 =	sadd.s32 @p0 $0x11B8D, s5;
	s6 =	sshll.u32 @p0 s4, $0x11  }
0xaa: {  	s5 =	sor.u32 @p0 s6, s5  }
0xab: {  	[sflag:s5] =	ssyncadd.remote.s32 @p0 $0x1;
	_ =	sdelay $0x1  }
0xac: {  	s5 =	simm.s32 @p0 $0x1B8D  }
0xad: {  	_ =	swait.eq @p0 [sflag:s5], $0x1  }
0xae: {  	[sflag:s5] =	ssyncadd.s32 @p0 $0xFFFFFFFF  }
0xaf: {  	s6 =	sshll.u32 @!p0 s1, $0xE  }
0xb0: {  	s6 =	sor.u32 @!p0 $0x4000, s6;
	s5 =	simm.s32 @!p0 $0x1B8D  }
0xb1: {  	s4 =	sshll.u32 @!p0 s4, $0x11;
	s6 =	sadd.s32 @!p0 $0x11B8D, s6;
	_ =	swait.eq @!p0 [sflag:s5], $0x1  }
0xb2: {  	s4 =	sor.u32 @!p0 s4, s6;
	[sflag:s5] =	ssyncadd.s32 @!p0 $0xFFFFFFFF  }
0xb3: {  	s25 =	simm.s32 $0x1B8E;
	s24 =	sld [smem:$0x3FFE];
	[sflag:s4] =	ssyncadd.remote.s32 @!p0 $0x1  }
0xb4: {  	s26 =	simm.s32 $execute0_lowered;
	[smem:$0x3FD2] =	sst s25  }
0xb5: {  	s5 =	sshll.u32 s26, $0x1;
	_ =	strace $0x8000004C;
	[dreg:$0x1] =	wrdreg $0xFFFFFFFF  }
0xb6: {  	s28 =	simm.s32 $_size_execute0_lowered;
	s3 =	sadd.s32 s3, s5;
	[dreg:$0x0] =	wrdreg $0x0  }
0xb7: {  	s5 =	sshll.u32 s28, $0x1;
	[dreg:$0x2] =	wrdreg s3  }
0xb8: {  	[dreg:$0x3] =	wrdreg s5  }
0xb9: {  	[dreg:$0x4] =	wrdreg $0xC0  }
0xba: {  	_ =	task [dreg:s22], $0x5FFFF  }
0xbb: {  	[dreg:$0x1] =	wrdreg $0xFFFFFFFF  }
0xbc: {  	[dreg:$0x0] =	wrdreg $0x60  }
0xbd: {  	[dreg:$0x2] =	wrdreg s24  }
0xbe: {  	[dreg:$0x3] =	wrdreg $0x9  }
0xbf: {  	_ =	task.clear_ibuf [dreg:s22], $0x4FFFF;
	_ =	strace $0x9000004C  }
0xc0: {  	s29 =	simm.s32 $0x9;
	_ =	strace $0x8000004E  }
0xc1: {  	_ =	swait.ge [sflag:s29], $0x1  }
0xc2: {  	[sflag:s29] =	ssyncadd.s32 $0xFFFFFFFF  }
0xc3: {  	_ =	strace $0x9000004E  }
0xc4: {  	_ =	sfence  }
0xc5: {  	s30 =	sld [smem:$0x0];
	_ =	sdelay $0x2  }
0xc6: {  	s31 =	sshll.u32 s1, $0xD;
	s1 =	sshrl.u32 s1, $0x2  }
0xc7: {  	s4 =	sand.u32 $0x4000, s31;
	s1 =	sadd.s32 s1, s30  }
0xc8: {  	s0 =	sor.u32 s4, s0;
	s1 =	sshll.u32 s1, $0x11  }
0xc9: {  	s0 =	sor.u32 s1, s0  }
0xca: {  	s0 =	sadd.s32 $0x8F2B, s0  }
0xcb: {  	[sflag:s0] =	ssyncadd.remote.s32 $0x1  }
0xcc: {  	_ =	sfence.sel $0xFFFF  }
0xcd: {  	[dreg:$0x0] =	wrdreg $0xFFFFFFFF;
	(pc) =	sbr.abs _section_cstart, $3  }
0xce: {  	[dreg:$0x1] =	wrdreg $0xFFFFFFFF  }
0xcf: {  	_ =	task.clear_ibuf [dreg:s22], $0x2FFFF;
	_ =	strace $0x9FFFFFFF  }
0xd0: {  	(tm) =	ssettm $0x7FFFFFFF  }
0xd1: {  	_ =	shalt  }
tec
execute0_lowered:
.L_overlay_start_1:
0x0: {  	(tag) =	ssettag $0x1  }
0x1: {  	s0 =	rddreg [dreg:$0x0];
	s1 =	srdreg.scid;
	s2 =	simm.s32 $0x0  }
0x2: {  	s6 =	stileid.u32;
	s8 =	simm.s32 $0x1000;
	s20 =	simm.s32 $0x7000  }
0x3: {  	s21 =	simm.s32 $0x7800;
	s22 =	simm.s32 $0x8000;
	s28 =	simm.s32 $0xA000  }
0x4: {  	s29 =	simm.s32 $0xA800;
	s30 =	simm.s32 $0xB000;
	s31 =	simm.s32 $0xB800  }
0x5: {  	s9 =	simm.s32 $0xE000;
	s10 =	simm.s32 $0xE800;
	s11 =	simm.s32 $0xF000  }
0x6: {  	s12 =	simm.s32 $0xF800;
	s13 =	simm.s32 $0x10000;
	s14 =	simm.s32 $0x10800  }
0x7: {  	s15 =	simm.s32 $0x2;
	s17 =	simm.s32 $0x0;
	s1 =	sand.u32 $0x1, s1  }
0x8: {  	[smem:$0x7FF] =	sst s2;
	s4 =	sshll.u32 s6, $0xD;
	s3 =	sadd.s32 $0x104C00, s0  }
0x9: {  	s23 =	sshll.u32 s6, $0x12;
	s5 =	sshll.u32 s1, $0xC;
	_ =	strace $0x8000004D  }
0xa: {  	s24 =	ssub.s32 $0x2, s1;
	s1 =	sshll.u32 s1, $0x11;
	s4 =	sor.u32 s5, s4  }
0xb: {  	s5 =	sadd.s32 s23, s0;
	s7 =	sshrl.u32 s24, $0x1;
	s23 =	simm.s32 $0x8800  }
0xc: {  	s4 =	sshrl.u32 s4, $0x3;
	s25 =	ssub.s32 s24, s7;
	s1 =	sadd.s32 s1, s5  }
.Ltmp0:
0xd: {  	s7 =	simm.s32 $0x3;
	s24 =	simm.s32 $0x1;
	(pc) =	sbr.rel .LBB2_1-.Ltmp0, $4  }
0xe: {  	s5 =	simm.s32 $0xD800;
	s0 =	sadd.s32 s4, s0;
	s26 =	smax.u32 s25, $0x1  }
0xf: {  	v2 =	vlaneseq.u32;
	s6 =	sadd.s32 $0x61AC00, s1;
	s25 =	simm.s32 $0x9000;
	s1 =	simm.s32 $0xC800  }
0x10: {  	vm0 =	vmmov $0xffff;
	v1 =	vshrl.u32 v2, $0x3;
	s4 =	simm.s32 $0xD000;
	s0 =	sadd.s32 $0x4C00, s0;
	[dreg:$0x3] =	wrdreg s26  }
0x11: {  	v0 =	vand.u32 $0x7, v2;
	v2 =	vor.u32 $0x8, v2;
	v1 =	vmul.u32 $0x8, v1;
	s26 =	simm.s32 $0x9800;
	[dreg:$0x2] =	wrdreg s0;
	s0 =	simm.s32 $0xC000  }
.LBB2_5:
0x12: {  	s17 =	rddreg [dreg:$0x4]  }
0x13: {  	s16 =	rddreg [dreg:$0x3];
	s17 =	sadd.s32 $0x1, s17  }
0x14: {  	p0 =	sne.s32 s17, s16  }
.Ltmp1:
0x15: {  	_ = 	snop;
	(pc) =	sbr.rel @!p0 .LBB2_6-.Ltmp1, $1  }
0x16: {  	_ =	sdelay $0x3  }
.LBB2_1:
0x17: {  	[dreg:$0x4] =	wrdreg s17  }
0x18: {  	s16 =	rddreg [dreg:$0x2]  }
0x19: {  	[tilespmem:s2], [sflag:$0x3] =	stream.linear.gather [hbm4b:s16+s2], $0x1000, $0x38;
	[tilespmem:$0x11000] =	vst v63  }
0x1a: {  	_ =	swait.ge [sflag:s7], $0x1000  }
0x1b: {  	[sflag:s7] =	ssyncset.done $0x0  }
0x1c: {  	[sflag:s7] =	ssyncadd.s32 $0xFFFFF000  }
0x1d: {  	v3 =	vld [tilespmem:$0x0];
	_ =	sdelay $0x4  }
0x1e: {  	v4 =	vshll.u32 v3, $0x1  }
0x1f: {  	v3 =	vand.u32 $0x7, v3;
	v4 =	vand.u32 $0xFFFFFFF0, v4  }
0x20: {  	v3 =	vor.u32 v3, v4  }
0x21: {  	v4 =	vperm.xlane v3, v0;
	_ =	sdelay $0x1  }
0x22: {  	v3 =	vperm.xlane v3, v2;
	v4 =	vadd.s32 v1, v4;
	_ =	sdelay $0x1  }
0x23: {  	v3 =	vadd.s32 v1, v3;
	_ =	sdelay $0x2  }
0x24: {  	[tilespmem:s8], [sflag:$0x1] =	stream.indirect_vreg.gather [hbm4b:s3+s2], $0x80, v4, vm0, $0xb8;
	[tilespmem:$0x11000] =	vst v63  }
0x25: {  	s18 =	simm.s32 $0x1800  }
0x26: {  	[tilespmem:s18], [sflag:$0x1] =	stream.indirect_vreg.gather [hbm4b:s3+s2], $0x80, v3, vm0, $0xb8;
	[tilespmem:$0x11000] =	vst v63  }
0x27: {  	v3 =	vld [tilespmem:$0x10];
	_ =	sdelay $0x4  }
0x28: {  	v57 =	vshll.u32 v3, $0x1  }
0x29: {  	v3 =	vand.u32 $0x7, v3;
	v4 =	vand.u32 $0xFFFFFFF0, v57  }
0x2a: {  	v3 =	vor.u32 v3, v4  }
0x2b: {  	v4 =	vperm.xlane v3, v0;
	_ =	sdelay $0x1  }
0x2c: {  	v3 =	vperm.xlane v3, v2;
	v4 =	vadd.s32 v1, v4;
	_ =	sdelay $0x1  }
0x2d: {  	v3 =	vadd.s32 v1, v3;
	_ =	sdelay $0x1  }
0x2e: {  	s19 =	simm.s32 $0x2000  }
0x2f: {  	[tilespmem:s19], [sflag:$0x1] =	stream.indirect_vreg.gather [hbm4b:s3+s2], $0x80, v4, vm0, $0xb8;
	[tilespmem:$0x11000] =	vst v63  }
0x30: {  	s17 =	simm.s32 $0x2800  }
0x31: {  	[tilespmem:s17], [sflag:$0x1] =	stream.indirect_vreg.gather [hbm4b:s3+s2], $0x80, v3, vm0, $0xb8;
	[tilespmem:$0x11000] =	vst v63  }
0x32: {  	v3 =	vld [tilespmem:$0x20];
	_ =	sdelay $0x4  }
0x33: {  	v58 =	vshll.u32 v3, $0x1  }
0x34: {  	v3 =	vand.u32 $0x7, v3;
	v4 =	vand.u32 $0xFFFFFFF0, v58  }
0x35: {  	v3 =	vor.u32 v3, v4  }
0x36: {  	v4 =	vperm.xlane v3, v0;
	_ =	sdelay $0x1  }
0x37: {  	v3 =	vperm.xlane v3, v2;
	v4 =	vadd.s32 v1, v4;
	_ =	sdelay $0x1  }
0x38: {  	v3 =	vadd.s32 v1, v3;
	_ =	sdelay $0x1  }
0x39: {  	s18 =	simm.s32 $0x3000  }
0x3a: {  	[tilespmem:s18], [sflag:$0x1] =	stream.indirect_vreg.gather [hbm4b:s3+s2], $0x80, v4, vm0, $0xb8;
	[tilespmem:$0x11000] =	vst v63  }
0x3b: {  	s19 =	simm.s32 $0x3800  }
0x3c: {  	[tilespmem:s19], [sflag:$0x1] =	stream.indirect_vreg.gather [hbm4b:s3+s2], $0x80, v3, vm0, $0xb8;
	[tilespmem:$0x11000] =	vst v63  }
0x3d: {  	v3 =	vld [tilespmem:$0x30];
	_ =	sdelay $0x4  }
0x3e: {  	v59 =	vshll.u32 v3, $0x1  }
0x3f: {  	v3 =	vand.u32 $0x7, v3;
	v4 =	vand.u32 $0xFFFFFFF0, v59  }
0x40: {  	v3 =	vor.u32 v3, v4  }
0x41: {  	v4 =	vperm.xlane v3, v0;
	_ =	sdelay $0x1  }
0x42: {  	v3 =	vperm.xlane v3, v2;
	v4 =	vadd.s32 v1, v4;
	_ =	sdelay $0x1  }
0x43: {  	v3 =	vadd.s32 v1, v3;
	_ =	sdelay $0x1  }
0x44: {  	s17 =	simm.s32 $0x4000  }
0x45: {  	[tilespmem:s17], [sflag:$0x1] =	stream.indirect_vreg.gather [hbm4b:s3+s2], $0x80, v4, vm0, $0xb8;
	[tilespmem:$0x11000] =	vst v63  }
0x46: {  	s18 =	simm.s32 $0x4800  }
0x47: {  	[tilespmem:s18], [sflag:$0x1] =	stream.indirect_vreg.gather [hbm4b:s3+s2], $0x80, v3, vm0, $0xb8;
	[tilespmem:$0x11000] =	vst v63  }
0x48: {  	v3 =	vld [tilespmem:$0x40];
	_ =	sdelay $0x4  }
0x49: {  	v60 =	vshll.u32 v3, $0x1  }
0x4a: {  	v3 =	vand.u32 $0x7, v3;
	v4 =	vand.u32 $0xFFFFFFF0, v60  }
0x4b: {  	v3 =	vor.u32 v3, v4  }
0x4c: {  	v4 =	vperm.xlane v3, v0;
	_ =	sdelay $0x1  }
0x4d: {  	v3 =	vperm.xlane v3, v2;
	v4 =	vadd.s32 v1, v4;
	_ =	sdelay $0x1  }
0x4e: {  	v3 =	vadd.s32 v1, v3;
	_ =	sdelay $0x1  }
0x4f: {  	s19 =	simm.s32 $0x5000  }
0x50: {  	[tilespmem:s19], [sflag:$0x1] =	stream.indirect_vreg.gather [hbm4b:s3+s2], $0x80, v4, vm0, $0xb8;
	[tilespmem:$0x11000] =	vst v63  }
0x51: {  	s17 =	simm.s32 $0x5800  }
0x52: {  	[tilespmem:s17], [sflag:$0x1] =	stream.indirect_vreg.gather [hbm4b:s3+s2], $0x80, v3, vm0, $0xb8;
	[tilespmem:$0x11000] =	vst v63  }
0x53: {  	v3 =	vld [tilespmem:$0x50];
	_ =	sdelay $0x4  }
0x54: {  	v61 =	vshll.u32 v3, $0x1  }
0x55: {  	v3 =	vand.u32 $0x7, v3;
	v4 =	vand.u32 $0xFFFFFFF0, v61  }
0x56: {  	v3 =	vor.u32 v3, v4  }
0x57: {  	v4 =	vperm.xlane v3, v0;
	_ =	sdelay $0x1  }
0x58: {  	v3 =	vperm.xlane v3, v2;
	v4 =	vadd.s32 v1, v4;
	_ =	sdelay $0x1  }
0x59: {  	v3 =	vadd.s32 v1, v3;
	_ =	sdelay $0x1  }
0x5a: {  	s18 =	simm.s32 $0x6000  }
0x5b: {  	[tilespmem:s18], [sflag:$0x1] =	stream.indirect_vreg.gather [hbm4b:s3+s2], $0x80, v4, vm0, $0xb8;
	[tilespmem:$0x11000] =	vst v63  }
0x5c: {  	s19 =	simm.s32 $0x6800  }
0x5d: {  	[tilespmem:s19], [sflag:$0x1] =	stream.indirect_vreg.gather [hbm4b:s3+s2], $0x80, v3, vm0, $0xb8;
	[tilespmem:$0x11000] =	vst v63  }
0x5e: {  	v3 =	vld [tilespmem:$0x60];
	_ =	sdelay $0x4  }
0x5f: {  	v62 =	vshll.u32 v3, $0x1  }
0x60: {  	v3 =	vand.u32 $0x7, v3;
	v4 =	vand.u32 $0xFFFFFFF0, v62  }
0x61: {  	v3 =	vor.u32 v3, v4  }
0x62: {  	v4 =	vperm.xlane v3, v0;
	_ =	sdelay $0x1  }
0x63: {  	v3 =	vperm.xlane v3, v2;
	v4 =	vadd.s32 v1, v4;
	_ =	sdelay $0x1  }
0x64: {  	v3 =	vadd.s32 v1, v3;
	_ =	sdelay $0x2  }
0x65: {  	[tilespmem:s20], [sflag:$0x1] =	stream.indirect_vreg.gather [hbm4b:s3+s2], $0x80, v4, vm0, $0xb8;
	[tilespmem:$0x11000] =	vst v63  }
0x66: {  	_ = 	snop  }
0x67: {  	[tilespmem:s21], [sflag:$0x1] =	stream.indirect_vreg.gather [hbm4b:s3+s2], $0x80, v3, vm0, $0xb8;
	[tilespmem:$0x11000] =	vst v63  }
0x68: {  	v3 =	vld [tilespmem:$0x70];
	_ =	sdelay $0x4  }
0x69: {  	v63 =	vshll.u32 v3, $0x1  }
0x6a: {  	v3 =	vand.u32 $0x7, v3;
	v4 =	vand.u32 $0xFFFFFFF0, v63  }
0x6b: {  	v3 =	vor.u32 v3, v4  }
0x6c: {  	v4 =	vperm.xlane v3, v0;
	_ =	sdelay $0x1  }
0x6d: {  	v3 =	vperm.xlane v3, v2;
	v4 =	vadd.s32 v1, v4;
	_ =	sdelay $0x1  }
0x6e: {  	v3 =	vadd.s32 v1, v3  }
.Ltmp2:
0x6f: {  	_ = 	snop;
	(pc) =	sbr.rel .LBB2_2-.Ltmp2, $4  }
0x70: {  	_ = 	snop  }
0x71: {  	[tilespmem:s22], [sflag:$0x1] =	stream.indirect_vreg.gather [hbm4b:s3+s2], $0x80, v4, vm0, $0xb8;
	[tilespmem:$0x11000] =	vst v63  }
0x72: {  	s16 =	simm.s32 $0xC0;
	s17 =	simm.s32 $0x0  }
0x73: {  	[tilespmem:s23], [sflag:$0x1] =	stream.indirect_vreg.gather [hbm4b:s3+s2], $0x80, v3, vm0, $0xb8;
	[tilespmem:$0x11000] =	vst v63  }
.LBB2_4:
0x74: {  	s17 =	sadd.s32 $0x2000, s17  }
0x75: {  	p0 =	sne.s32 s17, $0x20000  }
.Ltmp3:
0x76: {  	s18 =	sadd.s32 $0x1000, s18;
	(pc) =	sbr.rel @!p0 .LBB2_5-.Ltmp3, $4  }
0x77: {  	[hbm4b:s18+s2] =	stream.linear.scatter [tilespmem:s25], [sflag:$0x3], $0x8000, $0x38;
	[tilespmem:$0x11000] =	vst v63  }
0x78: {  	_ =	swait.ge [sflag:s7], $0x8000  }
0x79: {  	[sflag:s7] =	ssyncset.done $0x0  }
0x7a: {  	s16 =	sadd.s32 $0x100, s16;
	[sflag:s7] =	ssyncadd.s32 $0xFFFF8000  }
.LBB2_2:
0x7b: {  	_ =	swait.ge [sflag:s24], $0x8000  }
0x7c: {  	[sflag:s24] =	ssyncset.done $0x0  }
0x7d: {  	[sflag:s24] =	ssyncadd.s32 $0xFFFF8000  }
0x7e: {  	v3 =	vld [tilespmem:s16+$0xFFFFFFC0];
	_ =	sdelay $0x4  }
0x7f: {  	v4 =	vshll.u32 v3, $0x1  }
0x80: {  	v3 =	vand.u32 $0x7, v3;
	v4 =	vand.u32 $0xFFFFFFF0, v4  }
0x81: {  	v3 =	vor.u32 v3, v4  }
0x82: {  	v4 =	vperm.xlane v3, v0;
	_ =	sdelay $0x1  }
0x83: {  	v3 =	vperm.xlane v3, v2;
	v4 =	vadd.s32 v1, v4;
	_ =	sdelay $0x1  }
0x84: {  	v3 =	vadd.s32 v1, v3;
	_ =	sdelay $0x2  }
0x85: {  	[tilespmem:s25], [sflag:$0x2] =	stream.indirect_vreg.gather [hbm4b:s3+s2], $0x80, v4, vm0, $0xb8;
	[tilespmem:$0x11000] =	vst v63  }
0x86: {  	_ = 	snop  }
0x87: {  	[tilespmem:s26], [sflag:$0x2] =	stream.indirect_vreg.gather [hbm4b:s3+s2], $0x80, v3, vm0, $0xb8;
	[tilespmem:$0x11000] =	vst v63  }
0x88: {  	v3 =	vld [tilespmem:s16+$0xFFFFFFD0];
	_ =	sdelay $0x4  }
0x89: {  	v57 =	vshll.u32 v3, $0x1  }
0x8a: {  	v3 =	vand.u32 $0x7, v3;
	v4 =	vand.u32 $0xFFFFFFF0, v57  }
0x8b: {  	v3 =	vor.u32 v3, v4  }
0x8c: {  	v4 =	vperm.xlane v3, v0;
	_ =	sdelay $0x1  }
0x8d: {  	v3 =	vperm.xlane v3, v2;
	v4 =	vadd.s32 v1, v4;
	_ =	sdelay $0x1  }
0x8e: {  	v3 =	vadd.s32 v1, v3;
	_ =	sdelay $0x2  }
0x8f: {  	[tilespmem:s28], [sflag:$0x2] =	stream.indirect_vreg.gather [hbm4b:s3+s2], $0x80, v4, vm0, $0xb8;
	[tilespmem:$0x11000] =	vst v63  }
0x90: {  	_ = 	snop  }
0x91: {  	[tilespmem:s29], [sflag:$0x2] =	stream.indirect_vreg.gather [hbm4b:s3+s2], $0x80, v3, vm0, $0xb8;
	[tilespmem:$0x11000] =	vst v63  }
0x92: {  	v3 =	vld [tilespmem:s16+$0xFFFFFFE0];
	_ =	sdelay $0x4  }
0x93: {  	v58 =	vshll.u32 v3, $0x1  }
0x94: {  	v3 =	vand.u32 $0x7, v3;
	v4 =	vand.u32 $0xFFFFFFF0, v58  }
0x95: {  	v3 =	vor.u32 v3, v4  }
0x96: {  	v4 =	vperm.xlane v3, v0;
	_ =	sdelay $0x1  }
0x97: {  	v3 =	vperm.xlane v3, v2;
	v4 =	vadd.s32 v1, v4;
	_ =	sdelay $0x1  }
0x98: {  	v3 =	vadd.s32 v1, v3;
	_ =	sdelay $0x2  }
0x99: {  	[tilespmem:s30], [sflag:$0x2] =	stream.indirect_vreg.gather [hbm4b:s3+s2], $0x80, v4, vm0, $0xb8;
	[tilespmem:$0x11000] =	vst v63  }
0x9a: {  	_ = 	snop  }
0x9b: {  	[tilespmem:s31], [sflag:$0x2] =	stream.indirect_vreg.gather [hbm4b:s3+s2], $0x80, v3, vm0, $0xb8;
	[tilespmem:$0x11000] =	vst v63  }
0x9c: {  	v3 =	vld [tilespmem:s16+$0xFFFFFFF0];
	_ =	sdelay $0x4  }
0x9d: {  	v59 =	vshll.u32 v3, $0x1  }
0x9e: {  	v3 =	vand.u32 $0x7, v3;
	v4 =	vand.u32 $0xFFFFFFF0, v59  }
0x9f: {  	v3 =	vor.u32 v3, v4  }
0xa0: {  	v4 =	vperm.xlane v3, v0;
	_ =	sdelay $0x1  }
0xa1: {  	v3 =	vperm.xlane v3, v2;
	v4 =	vadd.s32 v1, v4;
	_ =	sdelay $0x1  }
0xa2: {  	v3 =	vadd.s32 v1, v3;
	_ =	sdelay $0x2  }
0xa3: {  	[tilespmem:s0], [sflag:$0x2] =	stream.indirect_vreg.gather [hbm4b:s3+s2], $0x80, v4, vm0, $0xb8;
	[tilespmem:$0x11000] =	vst v63  }
0xa4: {  	_ = 	snop  }
0xa5: {  	[tilespmem:s1], [sflag:$0x2] =	stream.indirect_vreg.gather [hbm4b:s3+s2], $0x80, v3, vm0, $0xb8;
	[tilespmem:$0x11000] =	vst v63  }
0xa6: {  	v3 =	vld [tilespmem:s16+$0x0];
	_ =	sdelay $0x4  }
0xa7: {  	v60 =	vshll.u32 v3, $0x1  }
0xa8: {  	v3 =	vand.u32 $0x7, v3;
	v4 =	vand.u32 $0xFFFFFFF0, v60  }
0xa9: {  	v3 =	vor.u32 v3, v4  }
0xaa: {  	v4 =	vperm.xlane v3, v0;
	_ =	sdelay $0x1  }
0xab: {  	v3 =	vperm.xlane v3, v2;
	v4 =	vadd.s32 v1, v4;
	_ =	sdelay $0x1  }
0xac: {  	v3 =	vadd.s32 v1, v3;
	_ =	sdelay $0x2  }
0xad: {  	[tilespmem:s4], [sflag:$0x2] =	stream.indirect_vreg.gather [hbm4b:s3+s2], $0x80, v4, vm0, $0xb8;
	[tilespmem:$0x11000] =	vst v63  }
0xae: {  	_ = 	snop  }
0xaf: {  	[tilespmem:s5], [sflag:$0x2] =	stream.indirect_vreg.gather [hbm4b:s3+s2], $0x80, v3, vm0, $0xb8;
	[tilespmem:$0x11000] =	vst v63  }
0xb0: {  	v3 =	vld [tilespmem:s16+$0x10];
	_ =	sdelay $0x4  }
0xb1: {  	v61 =	vshll.u32 v3, $0x1  }
0xb2: {  	v3 =	vand.u32 $0x7, v3;
	v4 =	vand.u32 $0xFFFFFFF0, v61  }
0xb3: {  	v3 =	vor.u32 v3, v4  }
0xb4: {  	v4 =	vperm.xlane v3, v0;
	_ =	sdelay $0x1  }
0xb5: {  	v3 =	vperm.xlane v3, v2;
	v4 =	vadd.s32 v1, v4;
	_ =	sdelay $0x1  }
0xb6: {  	v3 =	vadd.s32 v1, v3;
	_ =	sdelay $0x2  }
0xb7: {  	[tilespmem:s9], [sflag:$0x2] =	stream.indirect_vreg.gather [hbm4b:s3+s2], $0x80, v4, vm0, $0xb8;
	[tilespmem:$0x11000] =	vst v63  }
0xb8: {  	_ = 	snop  }
0xb9: {  	[tilespmem:s10], [sflag:$0x2] =	stream.indirect_vreg.gather [hbm4b:s3+s2], $0x80, v3, vm0, $0xb8;
	[tilespmem:$0x11000] =	vst v63  }
0xba: {  	v3 =	vld [tilespmem:s16+$0x20];
	_ =	sdelay $0x4  }
0xbb: {  	v62 =	vshll.u32 v3, $0x1  }
0xbc: {  	v3 =	vand.u32 $0x7, v3;
	v4 =	vand.u32 $0xFFFFFFF0, v62  }
0xbd: {  	v3 =	vor.u32 v3, v4  }
0xbe: {  	v4 =	vperm.xlane v3, v0;
	_ =	sdelay $0x1  }
0xbf: {  	v3 =	vperm.xlane v3, v2;
	v4 =	vadd.s32 v1, v4;
	_ =	sdelay $0x1  }
0xc0: {  	v3 =	vadd.s32 v1, v3;
	_ =	sdelay $0x2  }
0xc1: {  	[tilespmem:s11], [sflag:$0x2] =	stream.indirect_vreg.gather [hbm4b:s3+s2], $0x80, v4, vm0, $0xb8;
	[tilespmem:$0x11000] =	vst v63  }
0xc2: {  	_ = 	snop  }
0xc3: {  	[tilespmem:s12], [sflag:$0x2] =	stream.indirect_vreg.gather [hbm4b:s3+s2], $0x80, v3, vm0, $0xb8;
	[tilespmem:$0x11000] =	vst v63  }
0xc4: {  	v3 =	vld [tilespmem:s16+$0x30];
	_ =	sdelay $0x4  }
0xc5: {  	v63 =	vshll.u32 v3, $0x1  }
0xc6: {  	v3 =	vand.u32 $0x7, v3;
	v4 =	vand.u32 $0xFFFFFFF0, v63  }
0xc7: {  	v3 =	vor.u32 v3, v4  }
0xc8: {  	v4 =	vperm.xlane v3, v0;
	_ =	sdelay $0x1  }
0xc9: {  	v3 =	vperm.xlane v3, v2;
	v4 =	vadd.s32 v1, v4;
	_ =	sdelay $0x1  }
0xca: {  	v3 =	vadd.s32 v1, v3;
	_ =	sdelay $0x2  }
0xcb: {  	[tilespmem:s13], [sflag:$0x2] =	stream.indirect_vreg.gather [hbm4b:s3+s2], $0x80, v4, vm0, $0xb8;
	[tilespmem:$0x11000] =	vst v63  }
0xcc: {  	_ = 	snop  }
0xcd: {  	[tilespmem:s14], [sflag:$0x2] =	stream.indirect_vreg.gather [hbm4b:s3+s2], $0x80, v3, vm0, $0xb8;
	[tilespmem:$0x11000] =	vst v63  }
0xce: {  	s18 =	sadd.s32 s17, s6  }
0xcf: {  	[hbm4b:s18+s2] =	stream.linear.scatter [tilespmem:s8], [sflag:$0x3], $0x8000, $0x38;
	[tilespmem:$0x11000] =	vst v63  }
0xd0: {  	p0 =	seq.s32 s17, $0x1E000;
	_ =	swait.ge [sflag:s7], $0x8000  }
.Ltmp4:
0xd1: {  	[sflag:s7] =	ssyncset.done $0x0;
	(pc) =	sbr.rel @p0 .LBB2_4-.Ltmp4, $4  }
0xd2: {  	[sflag:s7] =	ssyncadd.s32 $0xFFFF8000  }
0xd3: {  	_ =	swait.ge [sflag:s15], $0x8000  }
0xd4: {  	[sflag:s15] =	ssyncset.done $0x0  }
0xd5: {  	[sflag:s15] =	ssyncadd.s32 $0xFFFF8000  }
0xd6: {  	v3 =	vld [tilespmem:s16+$0x40];
	_ =	sdelay $0x4  }
0xd7: {  	v4 =	vshll.u32 v3, $0x1  }
0xd8: {  	v3 =	vand.u32 $0x7, v3;
	v4 =	vand.u32 $0xFFFFFFF0, v4  }
0xd9: {  	v3 =	vor.u32 v3, v4  }
0xda: {  	v4 =	vperm.xlane v3, v0;
	_ =	sdelay $0x1  }
0xdb: {  	v3 =	vperm.xlane v3, v2;
	v4 =	vadd.s32 v1, v4;
	_ =	sdelay $0x1  }
0xdc: {  	v3 =	vadd.s32 v1, v3;
	_ =	sdelay $0x2  }
0xdd: {  	[tilespmem:s8], [sflag:$0x1] =	stream.indirect_vreg.gather [hbm4b:s3+s2], $0x80, v4, vm0, $0xb8;
	[tilespmem:$0x11000] =	vst v63  }
0xde: {  	s19 =	simm.s32 $0x1800  }
0xdf: {  	[tilespmem:s19], [sflag:$0x1] =	stream.indirect_vreg.gather [hbm4b:s3+s2], $0x80, v3, vm0, $0xb8;
	[tilespmem:$0x11000] =	vst v63  }
0xe0: {  	v3 =	vld [tilespmem:s16+$0x50];
	_ =	sdelay $0x4  }
0xe1: {  	v57 =	vshll.u32 v3, $0x1  }
0xe2: {  	v3 =	vand.u32 $0x7, v3;
	v4 =	vand.u32 $0xFFFFFFF0, v57  }
0xe3: {  	v3 =	vor.u32 v3, v4  }
0xe4: {  	v4 =	vperm.xlane v3, v0;
	_ =	sdelay $0x1  }
0xe5: {  	v3 =	vperm.xlane v3, v2;
	v4 =	vadd.s32 v1, v4;
	_ =	sdelay $0x1  }
0xe6: {  	v3 =	vadd.s32 v1, v3;
	_ =	sdelay $0x1  }
0xe7: {  	s19 =	simm.s32 $0x2000  }
0xe8: {  	[tilespmem:s19], [sflag:$0x1] =	stream.indirect_vreg.gather [hbm4b:s3+s2], $0x80, v4, vm0, $0xb8;
	[tilespmem:$0x11000] =	vst v63  }
0xe9: {  	s19 =	simm.s32 $0x2800  }
0xea: {  	[tilespmem:s19], [sflag:$0x1] =	stream.indirect_vreg.gather [hbm4b:s3+s2], $0x80, v3, vm0, $0xb8;
	[tilespmem:$0x11000] =	vst v63  }
0xeb: {  	v3 =	vld [tilespmem:s16+$0x60];
	_ =	sdelay $0x4  }
0xec: {  	v58 =	vshll.u32 v3, $0x1  }
0xed: {  	v3 =	vand.u32 $0x7, v3;
	v4 =	vand.u32 $0xFFFFFFF0, v58  }
0xee: {  	v3 =	vor.u32 v3, v4  }
0xef: {  	v4 =	vperm.xlane v3, v0;
	_ =	sdelay $0x1  }
0xf0: {  	v3 =	vperm.xlane v3, v2;
	v4 =	vadd.s32 v1, v4;
	_ =	sdelay $0x1  }
0xf1: {  	v3 =	vadd.s32 v1, v3;
	_ =	sdelay $0x1  }
0xf2: {  	s19 =	simm.s32 $0x3000  }
0xf3: {  	[tilespmem:s19], [sflag:$0x1] =	stream.indirect_vreg.gather [hbm4b:s3+s2], $0x80, v4, vm0, $0xb8;
	[tilespmem:$0x11000] =	vst v63  }
0xf4: {  	s19 =	simm.s32 $0x3800  }
0xf5: {  	[tilespmem:s19], [sflag:$0x1] =	stream.indirect_vreg.gather [hbm4b:s3+s2], $0x80, v3, vm0, $0xb8;
	[tilespmem:$0x11000] =	vst v63  }
0xf6: {  	v3 =	vld [tilespmem:s16+$0x70];
	_ =	sdelay $0x4  }
0xf7: {  	v59 =	vshll.u32 v3, $0x1  }
0xf8: {  	v3 =	vand.u32 $0x7, v3;
	v4 =	vand.u32 $0xFFFFFFF0, v59  }
0xf9: {  	v3 =	vor.u32 v3, v4  }
0xfa: {  	v4 =	vperm.xlane v3, v0;
	_ =	sdelay $0x1  }
0xfb: {  	v3 =	vperm.xlane v3, v2;
	v4 =	vadd.s32 v1, v4;
	_ =	sdelay $0x1  }
0xfc: {  	v3 =	vadd.s32 v1, v3;
	_ =	sdelay $0x1  }
0xfd: {  	s19 =	simm.s32 $0x4000  }
0xfe: {  	[tilespmem:s19], [sflag:$0x1] =	stream.indirect_vreg.gather [hbm4b:s3+s2], $0x80, v4, vm0, $0xb8;
	[tilespmem:$0x11000] =	vst v63  }
0xff: {  	s19 =	simm.s32 $0x4800  }
0x100: {  	[tilespmem:s19], [sflag:$0x1] =	stream.indirect_vreg.gather [hbm4b:s3+s2], $0x80, v3, vm0, $0xb8;
	[tilespmem:$0x11000] =	vst v63  }
0x101: {  	v3 =	vld [tilespmem:s16+$0x80];
	_ =	sdelay $0x4  }
0x102: {  	v60 =	vshll.u32 v3, $0x1  }
0x103: {  	v3 =	vand.u32 $0x7, v3;
	v4 =	vand.u32 $0xFFFFFFF0, v60  }
0x104: {  	v3 =	vor.u32 v3, v4  }
0x105: {  	v4 =	vperm.xlane v3, v0;
	_ =	sdelay $0x1  }
0x106: {  	v3 =	vperm.xlane v3, v2;
	v4 =	vadd.s32 v1, v4;
	_ =	sdelay $0x1  }
0x107: {  	v3 =	vadd.s32 v1, v3;
	_ =	sdelay $0x1  }
0x108: {  	s19 =	simm.s32 $0x5000  }
0x109: {  	[tilespmem:s19], [sflag:$0x1] =	stream.indirect_vreg.gather [hbm4b:s3+s2], $0x80, v4, vm0, $0xb8;
	[tilespmem:$0x11000] =	vst v63  }
0x10a: {  	s19 =	simm.s32 $0x5800  }
0x10b: {  	[tilespmem:s19], [sflag:$0x1] =	stream.indirect_vreg.gather [hbm4b:s3+s2], $0x80, v3, vm0, $0xb8;
	[tilespmem:$0x11000] =	vst v63  }
0x10c: {  	v3 =	vld [tilespmem:s16+$0x90];
	_ =	sdelay $0x4  }
0x10d: {  	v61 =	vshll.u32 v3, $0x1  }
0x10e: {  	v3 =	vand.u32 $0x7, v3;
	v4 =	vand.u32 $0xFFFFFFF0, v61  }
0x10f: {  	v3 =	vor.u32 v3, v4  }
0x110: {  	v4 =	vperm.xlane v3, v0;
	_ =	sdelay $0x1  }
0x111: {  	v3 =	vperm.xlane v3, v2;
	v4 =	vadd.s32 v1, v4;
	_ =	sdelay $0x1  }
0x112: {  	v3 =	vadd.s32 v1, v3;
	_ =	sdelay $0x1  }
0x113: {  	s19 =	simm.s32 $0x6000  }
0x114: {  	[tilespmem:s19], [sflag:$0x1] =	stream.indirect_vreg.gather [hbm4b:s3+s2], $0x80, v4, vm0, $0xb8;
	[tilespmem:$0x11000] =	vst v63  }
0x115: {  	s19 =	simm.s32 $0x6800  }
0x116: {  	[tilespmem:s19], [sflag:$0x1] =	stream.indirect_vreg.gather [hbm4b:s3+s2], $0x80, v3, vm0, $0xb8;
	[tilespmem:$0x11000] =	vst v63  }
0x117: {  	v3 =	vld [tilespmem:s16+$0xA0];
	_ =	sdelay $0x4  }
0x118: {  	v62 =	vshll.u32 v3, $0x1  }
0x119: {  	v3 =	vand.u32 $0x7, v3;
	v4 =	vand.u32 $0xFFFFFFF0, v62  }
0x11a: {  	v3 =	vor.u32 v3, v4  }
0x11b: {  	v4 =	vperm.xlane v3, v0;
	_ =	sdelay $0x1  }
0x11c: {  	v3 =	vperm.xlane v3, v2;
	v4 =	vadd.s32 v1, v4;
	_ =	sdelay $0x1  }
0x11d: {  	v3 =	vadd.s32 v1, v3;
	_ =	sdelay $0x2  }
0x11e: {  	[tilespmem:s20], [sflag:$0x1] =	stream.indirect_vreg.gather [hbm4b:s3+s2], $0x80, v4, vm0, $0xb8;
	[tilespmem:$0x11000] =	vst v63  }
0x11f: {  	_ = 	snop  }
0x120: {  	[tilespmem:s21], [sflag:$0x1] =	stream.indirect_vreg.gather [hbm4b:s3+s2], $0x80, v3, vm0, $0xb8;
	[tilespmem:$0x11000] =	vst v63  }
0x121: {  	v3 =	vld [tilespmem:s16+$0xB0];
	_ =	sdelay $0x4  }
0x122: {  	v63 =	vshll.u32 v3, $0x1  }
0x123: {  	v3 =	vand.u32 $0x7, v3;
	v4 =	vand.u32 $0xFFFFFFF0, v63  }
0x124: {  	v3 =	vor.u32 v3, v4  }
0x125: {  	v4 =	vperm.xlane v3, v0;
	_ =	sdelay $0x1  }
0x126: {  	v3 =	vperm.xlane v3, v2;
	v4 =	vadd.s32 v1, v4;
	_ =	sdelay $0x1  }
0x127: {  	v3 =	vadd.s32 v1, v3  }
.Ltmp5:
0x128: {  	_ = 	snop;
	(pc) =	sbr.rel .LBB2_4-.Ltmp5, $4  }
0x129: {  	_ = 	snop  }
0x12a: {  	[tilespmem:s22], [sflag:$0x1] =	stream.indirect_vreg.gather [hbm4b:s3+s2], $0x80, v4, vm0, $0xb8;
	[tilespmem:$0x11000] =	vst v63  }
0x12b: {  	_ = 	snop  }
0x12c: {  	[tilespmem:s23], [sflag:$0x1] =	stream.indirect_vreg.gather [hbm4b:s3+s2], $0x80, v3, vm0, $0xb8;
	[tilespmem:$0x11000] =	vst v63  }
.LBB2_6:
0x12d: {  	_ =	sfence.sel $0x180000  }
0x12e: {  	[bflag:$0x0] =	sbarrier.arrive $0xFFFF  }
0x12f: {  	_ =	strace $0x9000004D  }
0x130: {  	s0 =	stileid.u32;
	[bflag:$0x2] =	sbarrier.arrive $0xFFFF  }
0x131: {  	p0 =	sne.s32 s0, $0x0;
	s0 =	rddreg [dreg:$0x1]  }
0x132: {  	s0 =	sadd.s32 @!p0 $0x100000, s0  }
0x133: {  	[sflag:s0] =	ssyncadd.tile.s32 @!p0 $0x1;
	_ =	shalt  }
.Lfunc_end2:
_tile_overlayer_lowered:
.L_overlay_start_2:
0x134: {  	(tag) =	ssettag $0x2  }
0x135: {  	s0 =	rddreg [dreg:$0x0];
	s2 =	stileid.u32  }
0x136: {  	s1 =	rddreg [dreg:$0x1];
	p0 =	sne.s32 s2, $0x0  }
0x137: {  	s3 =	rddreg [dreg:$0x2];
	[bflag:$0x3] =	sbarrier.arrive $0xFFFF;
	s2 =	simm.s32 @!p0 $0x1C03  }
0x138: {  	[timem:s3], [sflag:s2] =	dma.local @!p0 [hbm:s0], s1  }
0x139: {  	s0 =	simm.s32 @!p0 $0x3  }
0x13a: {  	_ =	swait.ge @!p0 [sflag:s0], s1  }
0x13b: {  	s1 =	ssub.s32 @!p0 $0x0, s1;
	[sflag:s0] =	ssyncset.done @!p0 $0x0  }
0x13c: {  	[sflag:s0] =	ssyncadd.s32 @!p0 s1  }
0x13d: {  	[bflag:$0x3] =	sbarrier.arrive $0xFFFF  }
0x13e: {  	_ =	shalt  }

// kernel: kernel.18.cloned.1.call-start
scs
__scs_entry_jumppad:
0x0: {  	(pc) =	sbr.rel $0x88, $3  }
0x1: {  	(tag) =	ssettag $0x0;
	lr =	simm.s32 $0x1  }
0x2: {  	[smem:$0x3F8F] =	sst lr;
	_ =	strace $0xD0000000  }
0x3: {  	_ = 	snop  }
0x4: {  	_ = 	snop  }
0x5: {  	_ = 	snop  }
0x6: {  	_ = 	snop  }
0x7: {  	_ = 	snop  }
__scs_overlays_trampoline_lowered:
0x8: {  	[smem:$0x3F9E] =	sst s0  }
0x9: {  	[smem:$0x3F9F] =	sst s1  }
0xa: {  	[smem:$0x3FA0] =	sst s2  }
0xb: {  	[smem:$0x3FA1] =	sst s3  }
0xc: {  	[smem:$0x3FA2] =	sst s4  }
0xd: {  	[smem:$0x3FA3] =	sst s5  }
0xe: {  	[smem:$0x3FA4] =	sst s6  }
0xf: {  	[smem:$0x3FA5] =	sst s7  }
0x10: {  	[smem:$0x3FA6] =	sst s8  }
0x11: {  	[smem:$0x3FA7] =	sst s9;
	s0 =	simm.s32 @!p0 $0x0  }
0x12: {  	s1 =	sld [smem:$0x3F8D];
	s0 =	simm.s32 @p0 $0x1  }
0x13: {  	[smem:$0x3FA8] =	sst s0;
	s0 =	simm.s32 @!p1 $0x0  }
0x14: {  	s2 =	sld [smem:$0x3F8C];
	s0 =	simm.s32 @p1 $0x1  }
0x15: {  	[smem:$0x3FA9] =	sst s0;
	s0 =	simm.s32 @!p2 $0x0  }
0x16: {  	s3 =	sld [smem:$0x3FDB];
	s0 =	simm.s32 @p2 $0x1  }
0x17: {  	s4 =	simm.s32 $0x1BF5;
	[smem:$0x3FAB] =	sst s0  }
0x18: {  	s0 =	sld [smem:$0x3F8E];
	_ =	swait.ge [sflag:s4], $0x0  }
0x19: {  	s7 =	sld [smem:$0x3F8F]  }
0x1a: {  	s8 =	sadd.s32 $0xFFFFE003, lr  }
0x1b: {  	s9 =	sadd.s32 $0xFFFFFEF7, lr;
	s5 =	simm.s32 $0xFFFFFFFF;
	p2 =	slt.u32 s8, $0xFFFFF086  }
0x1c: {  	p1 =	slt.u32 s9, $0xF7A;
	s5 =	simm.s32 @!p2 $0x0  }
0x1d: {  	s5 =	simm.s32 @p1 $0x1;
	p0 =	seq.s32 s7, s2  }
0x1e: {  	s7 =	smul.u32 @!p0 $0xF7A, s2;
	p2 =	seq.s32 @!p0 s5, $0x0  }
0x1f: {  	s9 =	smul.u32 $0xF7A, s1;
	s8 =	simm.s32 @!p0 $0x1BF5;
	p2 =	por !p2, p0  }
0x20: {  	[sflag:s8] =	ssyncset.s32 @!p0 $0xFFFFF086;
	s6 =	sadd.s32 @!p0 s3, s7;
	s7 =	simm.s32 @!p0 $0x108  }
0x21: {  	s3 =	sadd.s32 s3, s9;
	s6 =	sadd.s32 @!p0 $0x88, s6;
	s7 =	simm.s32 @p2 $0x1082  }
0x22: {  	[simem:s7], [sflag:s8] =	dma.local @!p0 [hbm:s6], $0xF7A  }
0x23: {  	s9 =	sor.u32 $0xD0000000, s2;
	s6 =	simm.s32 $0x108;
	_ =	swait.ge @!p0 [sflag:s8], $0x0  }
0x24: {  	s3 =	sadd.s32 $0x88, s3;
	s6 =	simm.s32 @!p1 $0x1082;
	[sflag:s4] =	ssyncset.s32 $0xFFFFF086  }
0x25: {  	[simem:s6], [sflag:s4] =	dma.local [hbm:s3], $0xF7A  }
0x26: {  	[smem:$0x3F8F] =	sst s1;
	(tag) =	ssettag s2;
	_ =	strace s9  }
0x27: {  	s1 =	sld [smem:$0x3F9F]  }
0x28: {  	s2 =	sld [smem:$0x3FA0]  }
0x29: {  	s4 =	sld [smem:$0x3FA2]  }
0x2a: {  	p0 =	seq.s32 s5, $0x0;
	s5 =	sld [smem:$0x3FA3]  }
0x2b: {  	s6 =	sld [smem:$0x3FA4]  }
0x2c: {  	s7 =	sld [smem:$0x3FA5]  }
0x2d: {  	s3 =	simm.s32 $0x108;
	s8 =	sld [smem:$0x3FA6]  }
0x2e: {  	s3 =	simm.s32 @!p0 $0x1082;
	s9 =	sld [smem:$0x3FA7]  }
0x2f: {  	lr =	sadd.s32 s0, s3;
	s0 =	sld [smem:$0x3F9E]  }
0x30: {  	s3 =	sld [smem:$0x3FA1]  }
0x31: {  	[smem:$0x3FAA] =	sst s10  }
0x32: {  	s10 =	sld [smem:$0x3FA8];
	_ =	sdelay $0x3  }
0x33: {  	p0 =	seq.s32 s10, $0x1;
	s10 =	sld [smem:$0x3FAA];
	_ =	sdelay $0x3  }
0x34: {  	[smem:$0x3FAA] =	sst s10  }
0x35: {  	s10 =	sld [smem:$0x3FA9];
	_ =	sdelay $0x3  }
0x36: {  	p1 =	seq.s32 s10, $0x1;
	s10 =	sld [smem:$0x3FAA];
	_ =	sdelay $0x3  }
0x37: {  	[smem:$0x3FAA] =	sst s10  }
0x38: {  	s10 =	sld [smem:$0x3FAB]  }
0x39: {  	_ = 	snop;
	(pc) =	sbr.ind lr, $3  }
0x3a: {  	_ = 	snop  }
0x3b: {  	_ = 	snop  }
0x3c: {  	p2 =	seq.s32 s10, $0x1;
	s10 =	sld [smem:$0x3FAA]  }
0x3d: {  	_ =	shalt  }
0x3e: {  	_ =	shalt  }
0x3f: {  	_ =	shalt  }
0x40: {  	_ =	shalt  }
0x41: {  	_ =	shalt  }
0x42: {  	_ =	shalt  }
0x43: {  	_ =	shalt  }
0x44: {  	_ =	shalt  }
0x45: {  	_ =	shalt  }
0x46: {  	_ =	shalt  }
0x47: {  	_ =	shalt  }
0x48: {  	_ =	shalt  }
0x49: {  	_ =	shalt  }
0x4a: {  	_ =	shalt  }
0x4b: {  	_ =	shalt  }
0x4c: {  	_ =	shalt  }
0x4d: {  	_ =	shalt  }
0x4e: {  	_ =	shalt  }
0x4f: {  	_ =	shalt  }
0x50: {  	_ =	shalt  }
0x51: {  	_ =	shalt  }
0x52: {  	_ =	shalt  }
0x53: {  	_ =	shalt  }
0x54: {  	_ =	shalt  }
0x55: {  	_ =	shalt  }
0x56: {  	_ =	shalt  }
0x57: {  	_ =	shalt  }
0x58: {  	_ =	shalt  }
0x59: {  	_ =	shalt  }
0x5a: {  	_ =	shalt  }
0x5b: {  	_ =	shalt  }
0x5c: {  	_ =	shalt  }
0x5d: {  	_ =	shalt  }
0x5e: {  	_ =	shalt  }
0x5f: {  	_ =	shalt  }
0x60: {  	_ =	shalt  }
0x61: {  	_ =	shalt  }
0x62: {  	_ =	shalt  }
0x63: {  	_ =	shalt  }
0x64: {  	_ =	shalt  }
0x65: {  	_ =	shalt  }
0x66: {  	_ =	shalt  }
0x67: {  	_ =	shalt  }
0x68: {  	_ =	shalt  }
0x69: {  	_ =	shalt  }
0x6a: {  	_ =	shalt  }
0x6b: {  	_ =	shalt  }
0x6c: {  	_ =	shalt  }
0x6d: {  	_ =	shalt  }
0x6e: {  	_ =	shalt  }
0x6f: {  	_ =	shalt  }
0x70: {  	_ =	shalt  }
0x71: {  	_ =	shalt  }
0x72: {  	_ =	shalt  }
0x73: {  	_ =	shalt  }
0x74: {  	_ =	shalt  }
0x75: {  	_ =	shalt  }
0x76: {  	_ =	shalt  }
0x77: {  	_ =	shalt  }
0x78: {  	_ =	shalt  }
0x79: {  	_ =	shalt  }
0x7a: {  	_ =	shalt  }
0x7b: {  	_ =	shalt  }
0x7c: {  	_ =	shalt  }
0x7d: {  	_ =	shalt  }
0x7e: {  	_ =	shalt  }
0x7f: {  	_ =	shalt  }
0x80: {  	_ =	shalt  }
0x81: {  	_ =	shalt  }
0x82: {  	_ =	shalt  }
0x83: {  	_ =	shalt  }
0x84: {  	_ =	shalt  }
0x85: {  	_ =	shalt  }
0x86: {  	_ =	shalt  }
0x87: {  	_ =	shalt  }
.Lfunc_end0:
.L_simem_size_0:
called_computation.2_lowered:
.L_overlay_start_0:
0x88: {  	s2 =	sld [smem:$0x3FD9]  }
0x89: {  	s3 =	sld [smem:$0x3FFE];
	_ =	sdelay $0x1  }
0x8a: {  	s1 =	srdreg.scid  }
0x8b: {  	s0 =	sand.u32 $0x1, s1  }
0x8c: {  	s16 =	sshll.u32 s0, $0xA;
	s2 =	sadd.s32 s3, s2  }
0x8d: {  	s2 =	sadd.s32 s2, s16  }
0x8e: {  	[smem:$0x3FB6] =	sst s2  }
0x8f: {  	_ = 	snop  }
0x90: {  	(tm) =	ssettm $0x1  }
0x91: {  	s17 =	sld [smem:$0x3FFB];
	_ =	sdelay $0x3  }
0x92: {  	_ =	strace s17  }
0x93: {  	s2 =	sld [smem:$0x3FFC];
	_ =	sdelay $0x3  }
0x94: {  	_ =	strace s2  }
0x95: {  	s2 =	sld [smem:$0x3FFD];
	_ =	sdelay $0x3  }
0x96: {  	_ =	strace s2  }
0x97: {  	_ =	strace $0x8FFFFFFF  }
0x98: {  	s18 =	sld [smem:$0x3FDB];
	_ =	sdelay $0x1  }
0x99: {  	s19 =	simm.s32 $_scs_section_size  }
0x9a: {  	s4 =	simm.s32 $_size__tile_overlayer_lowered;
	s5 =	simm.s32 $_tile_overlayer_lowered  }
0x9b: {  	s22 =	simm.s32 $0x1BFF;
	s21 =	sshll.u32 s5, $0x1;
	s2 =	sadd.s32 s19, s18  }
0x9c: {  	s6 =	simm.s32 $0x0;
	s20 =	sshll.u32 s4, $0x1;
	s4 =	sadd.s32 s21, s2  }
0x9d: {  	[timem:s6], [sflag:s22] =	dma.local [hbm:s4], s20  }
0x9e: {  	_ =	swait.ge [sflag:s22], s20  }
0x9f: {  	s3 =	ssub.s32 $0x0, s20;
	[sflag:s22] =	ssyncset.done $0x0  }
0xa0: {  	[sflag:s22] =	ssyncadd.s32 s3;
	_ =	sdelay $0x1  }
0xa1: {  	s23 =	simm.s32 $0x1B8B  }
0xa2: {  	_ =	swait.ge [sflag:s23], $0x1  }
0xa3: {  	[sflag:s23] =	ssyncset.done $0x0  }
0xa4: {  	s25 =	simm.s32 $0x1B8E;
	s24 =	sld [smem:$0x3FFE];
	[sflag:s23] =	ssyncadd.s32 $0xFFFFFFFF  }
0xa5: {  	s26 =	simm.s32 $execute0_lowered;
	[smem:$0x3FD2] =	sst s25  }
0xa6: {  	s4 =	sshll.u32 s26, $0x1;
	_ =	strace $0x80000049;
	[dreg:$0x1] =	wrdreg $0xFFFFFFFF  }
0xa7: {  	s28 =	simm.s32 $_size_execute0_lowered;
	s2 =	sadd.s32 s2, s4;
	[dreg:$0x0] =	wrdreg $0x0  }
0xa8: {  	s4 =	sshll.u32 s28, $0x1;
	[dreg:$0x2] =	wrdreg s2  }
0xa9: {  	[dreg:$0x3] =	wrdreg s4  }
0xaa: {  	[dreg:$0x4] =	wrdreg $0xC0  }
0xab: {  	_ =	task [dreg:s6], $0x5FFFF  }
0xac: {  	[dreg:$0x1] =	wrdreg $0xFFFFFFFF  }
0xad: {  	[dreg:$0x0] =	wrdreg $0x60  }
0xae: {  	[dreg:$0x2] =	wrdreg s24  }
0xaf: {  	[dreg:$0x3] =	wrdreg $0xA  }
0xb0: {  	_ =	task.clear_ibuf [dreg:s6], $0x4FFFF;
	_ =	strace $0x90000049  }
0xb1: {  	s29 =	simm.s32 $0xA;
	_ =	strace $0x8000004B  }
0xb2: {  	_ =	swait.ge [sflag:s29], $0x1  }
0xb3: {  	[sflag:s29] =	ssyncadd.s32 $0xFFFFFFFF  }
0xb4: {  	_ =	strace $0x9000004B  }
0xb5: {  	_ =	sfence  }
0xb6: {  	s30 =	sld [smem:$0x0];
	_ =	sdelay $0x2  }
0xb7: {  	s31 =	sshll.u32 s1, $0xD;
	s1 =	sshrl.u32 s1, $0x2  }
0xb8: {  	s3 =	sand.u32 $0x4000, s31;
	s1 =	sadd.s32 s1, s30  }
0xb9: {  	s0 =	sor.u32 s3, s0;
	s1 =	sshll.u32 s1, $0x11  }
0xba: {  	s0 =	sor.u32 s1, s0  }
0xbb: {  	s0 =	sadd.s32 $0x8F2B, s0  }
0xbc: {  	[sflag:s0] =	ssyncadd.remote.s32 $0x1  }
0xbd: {  	_ =	sfence.sel $0xFFFF  }
0xbe: {  	[dreg:$0x0] =	wrdreg $0xFFFFFFFF;
	(pc) =	sbr.abs _section_cstart, $3  }
0xbf: {  	[dreg:$0x1] =	wrdreg $0xFFFFFFFF  }
0xc0: {  	_ =	task.clear_ibuf [dreg:s6], $0x2FFFF;
	_ =	strace $0x9FFFFFFF  }
0xc1: {  	(tm) =	ssettm $0x7FFFFFFF  }
tec
execute0_lowered:
.L_overlay_start_1:
0x0: {  	(tag) =	ssettag $0x1  }
0x1: {  	s0 =	rddreg [dreg:$0x0];
	s1 =	srdreg.scid;
	s2 =	simm.s32 $0x0  }
0x2: {  	s6 =	stileid.u32;
	s8 =	simm.s32 $0x1000;
	s20 =	simm.s32 $0x7000  }
0x3: {  	s21 =	simm.s32 $0x7800;
	s22 =	simm.s32 $0x8000;
	s28 =	simm.s32 $0xA000  }
0x4: {  	s29 =	simm.s32 $0xA800;
	s30 =	simm.s32 $0xB000;
	s31 =	simm.s32 $0xB800  }
0x5: {  	s9 =	simm.s32 $0xE000;
	s10 =	simm.s32 $0xE800;
	s11 =	simm.s32 $0xF000  }
0x6: {  	s12 =	simm.s32 $0xF800;
	s13 =	simm.s32 $0x10000;
	s14 =	simm.s32 $0x10800  }
0x7: {  	s15 =	simm.s32 $0x2;
	s17 =	simm.s32 $0x0;
	s1 =	sand.u32 $0x1, s1  }
0x8: {  	[smem:$0x7FF] =	sst s2;
	s4 =	sshll.u32 s6, $0xD;
	s3 =	sadd.s32 $0x104C00, s0  }
0x9: {  	s23 =	sshll.u32 s6, $0x12;
	s5 =	sshll.u32 s1, $0xC;
	_ =	strace $0x8000004A  }
0xa: {  	s24 =	ssub.s32 $0x2, s1;
	s1 =	sshll.u32 s1, $0x11;
	s4 =	sor.u32 s5, s4  }
0xb: {  	s5 =	sadd.s32 s23, s0;
	s7 =	sshrl.u32 s24, $0x1;
	s23 =	simm.s32 $0x8800  }
0xc: {  	s4 =	sshrl.u32 s4, $0x3;
	s25 =	ssub.s32 s24, s7;
	s1 =	sadd.s32 s1, s5  }
.Ltmp0:
0xd: {  	s7 =	simm.s32 $0x3;
	s24 =	simm.s32 $0x1;
	(pc) =	sbr.rel .LBB2_1-.Ltmp0, $4  }
0xe: {  	s5 =	simm.s32 $0xD800;
	s0 =	sadd.s32 s4, s0;
	s26 =	smax.u32 s25, $0x1  }
0xf: {  	v2 =	vlaneseq.u32;
	s6 =	sadd.s32 $0x21AC00, s1;
	s25 =	simm.s32 $0x9000;
	s1 =	simm.s32 $0xC800  }
0x10: {  	vm0 =	vmmov $0xffff;
	v1 =	vshrl.u32 v2, $0x3;
	s4 =	simm.s32 $0xD000;
	s0 =	sadd.s32 $0x216C00, s0;
	[dreg:$0x3] =	wrdreg s26  }
0x11: {  	v0 =	vand.u32 $0x7, v2;
	v2 =	vor.u32 $0x8, v2;
	v1 =	vmul.u32 $0x8, v1;
	s26 =	simm.s32 $0x9800;
	[dreg:$0x2] =	wrdreg s0;
	s0 =	simm.s32 $0xC000  }
.LBB2_5:
0x12: {  	s17 =	rddreg [dreg:$0x4]  }
0x13: {  	s16 =	rddreg [dreg:$0x3];
	s17 =	sadd.s32 $0x1, s17  }
0x14: {  	p0 =	sne.s32 s17, s16  }
.Ltmp1:
0x15: {  	_ = 	snop;
	(pc) =	sbr.rel @!p0 .LBB2_6-.Ltmp1, $1  }
0x16: {  	_ =	sdelay $0x3  }
.LBB2_1:
0x17: {  	[dreg:$0x4] =	wrdreg s17  }
0x18: {  	s16 =	rddreg [dreg:$0x2]  }
0x19: {  	[tilespmem:s2], [sflag:$0x3] =	stream.linear.gather [hbm4b:s16+s2], $0x1000, $0x38;
	[tilespmem:$0x11000] =	vst v63  }
0x1a: {  	_ =	swait.ge [sflag:s7], $0x1000  }
0x1b: {  	[sflag:s7] =	ssyncset.done $0x0  }
0x1c: {  	[sflag:s7] =	ssyncadd.s32 $0xFFFFF000  }
0x1d: {  	v3 =	vld [tilespmem:$0x0];
	_ =	sdelay $0x4  }
0x1e: {  	v4 =	vshll.u32 v3, $0x1  }
0x1f: {  	v3 =	vand.u32 $0x7, v3;
	v4 =	vand.u32 $0xFFFFFFF0, v4  }
0x20: {  	v3 =	vor.u32 v3, v4  }
0x21: {  	v4 =	vperm.xlane v3, v0;
	_ =	sdelay $0x1  }
0x22: {  	v3 =	vperm.xlane v3, v2;
	v4 =	vadd.s32 v1, v4;
	_ =	sdelay $0x1  }
0x23: {  	v3 =	vadd.s32 v1, v3;
	_ =	sdelay $0x2  }
0x24: {  	[tilespmem:s8], [sflag:$0x1] =	stream.indirect_vreg.gather [hbm4b:s3+s2], $0x80, v4, vm0, $0xb8;
	[tilespmem:$0x11000] =	vst v63  }
0x25: {  	s18 =	simm.s32 $0x1800  }
0x26: {  	[tilespmem:s18], [sflag:$0x1] =	stream.indirect_vreg.gather [hbm4b:s3+s2], $0x80, v3, vm0, $0xb8;
	[tilespmem:$0x11000] =	vst v63  }
0x27: {  	v3 =	vld [tilespmem:$0x10];
	_ =	sdelay $0x4  }
0x28: {  	v57 =	vshll.u32 v3, $0x1  }
0x29: {  	v3 =	vand.u32 $0x7, v3;
	v4 =	vand.u32 $0xFFFFFFF0, v57  }
0x2a: {  	v3 =	vor.u32 v3, v4  }
0x2b: {  	v4 =	vperm.xlane v3, v0;
	_ =	sdelay $0x1  }
0x2c: {  	v3 =	vperm.xlane v3, v2;
	v4 =	vadd.s32 v1, v4;
	_ =	sdelay $0x1  }
0x2d: {  	v3 =	vadd.s32 v1, v3;
	_ =	sdelay $0x1  }
0x2e: {  	s19 =	simm.s32 $0x2000  }
0x2f: {  	[tilespmem:s19], [sflag:$0x1] =	stream.indirect_vreg.gather [hbm4b:s3+s2], $0x80, v4, vm0, $0xb8;
	[tilespmem:$0x11000] =	vst v63  }
0x30: {  	s17 =	simm.s32 $0x2800  }
0x31: {  	[tilespmem:s17], [sflag:$0x1] =	stream.indirect_vreg.gather [hbm4b:s3+s2], $0x80, v3, vm0, $0xb8;
	[tilespmem:$0x11000] =	vst v63  }
0x32: {  	v3 =	vld [tilespmem:$0x20];
	_ =	sdelay $0x4  }
0x33: {  	v58 =	vshll.u32 v3, $0x1  }
0x34: {  	v3 =	vand.u32 $0x7, v3;
	v4 =	vand.u32 $0xFFFFFFF0, v58  }
0x35: {  	v3 =	vor.u32 v3, v4  }
0x36: {  	v4 =	vperm.xlane v3, v0;
	_ =	sdelay $0x1  }
0x37: {  	v3 =	vperm.xlane v3, v2;
	v4 =	vadd.s32 v1, v4;
	_ =	sdelay $0x1  }
0x38: {  	v3 =	vadd.s32 v1, v3;
	_ =	sdelay $0x1  }
0x39: {  	s18 =	simm.s32 $0x3000  }
0x3a: {  	[tilespmem:s18], [sflag:$0x1] =	stream.indirect_vreg.gather [hbm4b:s3+s2], $0x80, v4, vm0, $0xb8;
	[tilespmem:$0x11000] =	vst v63  }
0x3b: {  	s19 =	simm.s32 $0x3800  }
0x3c: {  	[tilespmem:s19], [sflag:$0x1] =	stream.indirect_vreg.gather [hbm4b:s3+s2], $0x80, v3, vm0, $0xb8;
	[tilespmem:$0x11000] =	vst v63  }
0x3d: {  	v3 =	vld [tilespmem:$0x30];
	_ =	sdelay $0x4  }
0x3e: {  	v59 =	vshll.u32 v3, $0x1  }
0x3f: {  	v3 =	vand.u32 $0x7, v3;
	v4 =	vand.u32 $0xFFFFFFF0, v59  }
0x40: {  	v3 =	vor.u32 v3, v4  }
0x41: {  	v4 =	vperm.xlane v3, v0;
	_ =	sdelay $0x1  }
0x42: {  	v3 =	vperm.xlane v3, v2;
	v4 =	vadd.s32 v1, v4;
	_ =	sdelay $0x1  }
0x43: {  	v3 =	vadd.s32 v1, v3;
	_ =	sdelay $0x1  }
0x44: {  	s17 =	simm.s32 $0x4000  }
0x45: {  	[tilespmem:s17], [sflag:$0x1] =	stream.indirect_vreg.gather [hbm4b:s3+s2], $0x80, v4, vm0, $0xb8;
	[tilespmem:$0x11000] =	vst v63  }
0x46: {  	s18 =	simm.s32 $0x4800  }
0x47: {  	[tilespmem:s18], [sflag:$0x1] =	stream.indirect_vreg.gather [hbm4b:s3+s2], $0x80, v3, vm0, $0xb8;
	[tilespmem:$0x11000] =	vst v63  }
0x48: {  	v3 =	vld [tilespmem:$0x40];
	_ =	sdelay $0x4  }
0x49: {  	v60 =	vshll.u32 v3, $0x1  }
0x4a: {  	v3 =	vand.u32 $0x7, v3;
	v4 =	vand.u32 $0xFFFFFFF0, v60  }
0x4b: {  	v3 =	vor.u32 v3, v4  }
0x4c: {  	v4 =	vperm.xlane v3, v0;
	_ =	sdelay $0x1  }
0x4d: {  	v3 =	vperm.xlane v3, v2;
	v4 =	vadd.s32 v1, v4;
	_ =	sdelay $0x1  }
0x4e: {  	v3 =	vadd.s32 v1, v3;
	_ =	sdelay $0x1  }
0x4f: {  	s19 =	simm.s32 $0x5000  }
0x50: {  	[tilespmem:s19], [sflag:$0x1] =	stream.indirect_vreg.gather [hbm4b:s3+s2], $0x80, v4, vm0, $0xb8;
	[tilespmem:$0x11000] =	vst v63  }
0x51: {  	s17 =	simm.s32 $0x5800  }
0x52: {  	[tilespmem:s17], [sflag:$0x1] =	stream.indirect_vreg.gather [hbm4b:s3+s2], $0x80, v3, vm0, $0xb8;
	[tilespmem:$0x11000] =	vst v63  }
0x53: {  	v3 =	vld [tilespmem:$0x50];
	_ =	sdelay $0x4  }
0x54: {  	v61 =	vshll.u32 v3, $0x1  }
0x55: {  	v3 =	vand.u32 $0x7, v3;
	v4 =	vand.u32 $0xFFFFFFF0, v61  }
0x56: {  	v3 =	vor.u32 v3, v4  }
0x57: {  	v4 =	vperm.xlane v3, v0;
	_ =	sdelay $0x1  }
0x58: {  	v3 =	vperm.xlane v3, v2;
	v4 =	vadd.s32 v1, v4;
	_ =	sdelay $0x1  }
0x59: {  	v3 =	vadd.s32 v1, v3;
	_ =	sdelay $0x1  }
0x5a: {  	s18 =	simm.s32 $0x6000  }
0x5b: {  	[tilespmem:s18], [sflag:$0x1] =	stream.indirect_vreg.gather [hbm4b:s3+s2], $0x80, v4, vm0, $0xb8;
	[tilespmem:$0x11000] =	vst v63  }
0x5c: {  	s19 =	simm.s32 $0x6800  }
0x5d: {  	[tilespmem:s19], [sflag:$0x1] =	stream.indirect_vreg.gather [hbm4b:s3+s2], $0x80, v3, vm0, $0xb8;
	[tilespmem:$0x11000] =	vst v63  }
0x5e: {  	v3 =	vld [tilespmem:$0x60];
	_ =	sdelay $0x4  }
0x5f: {  	v62 =	vshll.u32 v3, $0x1  }
0x60: {  	v3 =	vand.u32 $0x7, v3;
	v4 =	vand.u32 $0xFFFFFFF0, v62  }
0x61: {  	v3 =	vor.u32 v3, v4  }
0x62: {  	v4 =	vperm.xlane v3, v0;
	_ =	sdelay $0x1  }
0x63: {  	v3 =	vperm.xlane v3, v2;
	v4 =	vadd.s32 v1, v4;
	_ =	sdelay $0x1  }
0x64: {  	v3 =	vadd.s32 v1, v3;
	_ =	sdelay $0x2  }
0x65: {  	[tilespmem:s20], [sflag:$0x1] =	stream.indirect_vreg.gather [hbm4b:s3+s2], $0x80, v4, vm0, $0xb8;
	[tilespmem:$0x11000] =	vst v63  }
0x66: {  	_ = 	snop  }
0x67: {  	[tilespmem:s21], [sflag:$0x1] =	stream.indirect_vreg.gather [hbm4b:s3+s2], $0x80, v3, vm0, $0xb8;
	[tilespmem:$0x11000] =	vst v63  }
0x68: {  	v3 =	vld [tilespmem:$0x70];
	_ =	sdelay $0x4  }
0x69: {  	v63 =	vshll.u32 v3, $0x1  }
0x6a: {  	v3 =	vand.u32 $0x7, v3;
	v4 =	vand.u32 $0xFFFFFFF0, v63  }
0x6b: {  	v3 =	vor.u32 v3, v4  }
0x6c: {  	v4 =	vperm.xlane v3, v0;
	_ =	sdelay $0x1  }
0x6d: {  	v3 =	vperm.xlane v3, v2;
	v4 =	vadd.s32 v1, v4;
	_ =	sdelay $0x1  }
0x6e: {  	v3 =	vadd.s32 v1, v3  }
.Ltmp2:
0x6f: {  	_ = 	snop;
	(pc) =	sbr.rel .LBB2_2-.Ltmp2, $4  }
0x70: {  	_ = 	snop  }
0x71: {  	[tilespmem:s22], [sflag:$0x1] =	stream.indirect_vreg.gather [hbm4b:s3+s2], $0x80, v4, vm0, $0xb8;
	[tilespmem:$0x11000] =	vst v63  }
0x72: {  	s16 =	simm.s32 $0xC0;
	s17 =	simm.s32 $0x0  }
0x73: {  	[tilespmem:s23], [sflag:$0x1] =	stream.indirect_vreg.gather [hbm4b:s3+s2], $0x80, v3, vm0, $0xb8;
	[tilespmem:$0x11000] =	vst v63  }
.LBB2_4:
0x74: {  	s17 =	sadd.s32 $0x2000, s17  }
0x75: {  	p0 =	sne.s32 s17, $0x20000  }
.Ltmp3:
0x76: {  	s18 =	sadd.s32 $0x1000, s18;
	(pc) =	sbr.rel @!p0 .LBB2_5-.Ltmp3, $4  }
0x77: {  	[hbm4b:s18+s2] =	stream.linear.scatter [tilespmem:s25], [sflag:$0x3], $0x8000, $0x38;
	[tilespmem:$0x11000] =	vst v63  }
0x78: {  	_ =	swait.ge [sflag:s7], $0x8000  }
0x79: {  	[sflag:s7] =	ssyncset.done $0x0  }
0x7a: {  	s16 =	sadd.s32 $0x100, s16;
	[sflag:s7] =	ssyncadd.s32 $0xFFFF8000  }
.LBB2_2:
0x7b: {  	_ =	swait.ge [sflag:s24], $0x8000  }
0x7c: {  	[sflag:s24] =	ssyncset.done $0x0  }
0x7d: {  	[sflag:s24] =	ssyncadd.s32 $0xFFFF8000  }
0x7e: {  	v3 =	vld [tilespmem:s16+$0xFFFFFFC0];
	_ =	sdelay $0x4  }
0x7f: {  	v4 =	vshll.u32 v3, $0x1  }
0x80: {  	v3 =	vand.u32 $0x7, v3;
	v4 =	vand.u32 $0xFFFFFFF0, v4  }
0x81: {  	v3 =	vor.u32 v3, v4  }
0x82: {  	v4 =	vperm.xlane v3, v0;
	_ =	sdelay $0x1  }
0x83: {  	v3 =	vperm.xlane v3, v2;
	v4 =	vadd.s32 v1, v4;
	_ =	sdelay $0x1  }
0x84: {  	v3 =	vadd.s32 v1, v3;
	_ =	sdelay $0x2  }
0x85: {  	[tilespmem:s25], [sflag:$0x2] =	stream.indirect_vreg.gather [hbm4b:s3+s2], $0x80, v4, vm0, $0xb8;
	[tilespmem:$0x11000] =	vst v63  }
0x86: {  	_ = 	snop  }
0x87: {  	[tilespmem:s26], [sflag:$0x2] =	stream.indirect_vreg.gather [hbm4b:s3+s2], $0x80, v3, vm0, $0xb8;
	[tilespmem:$0x11000] =	vst v63  }
0x88: {  	v3 =	vld [tilespmem:s16+$0xFFFFFFD0];
	_ =	sdelay $0x4  }
0x89: {  	v57 =	vshll.u32 v3, $0x1  }
0x8a: {  	v3 =	vand.u32 $0x7, v3;
	v4 =	vand.u32 $0xFFFFFFF0, v57  }
0x8b: {  	v3 =	vor.u32 v3, v4  }
0x8c: {  	v4 =	vperm.xlane v3, v0;
	_ =	sdelay $0x1  }
0x8d: {  	v3 =	vperm.xlane v3, v2;
	v4 =	vadd.s32 v1, v4;
	_ =	sdelay $0x1  }
0x8e: {  	v3 =	vadd.s32 v1, v3;
	_ =	sdelay $0x2  }
0x8f: {  	[tilespmem:s28], [sflag:$0x2] =	stream.indirect_vreg.gather [hbm4b:s3+s2], $0x80, v4, vm0, $0xb8;
	[tilespmem:$0x11000] =	vst v63  }
0x90: {  	_ = 	snop  }
0x91: {  	[tilespmem:s29], [sflag:$0x2] =	stream.indirect_vreg.gather [hbm4b:s3+s2], $0x80, v3, vm0, $0xb8;
	[tilespmem:$0x11000] =	vst v63  }
0x92: {  	v3 =	vld [tilespmem:s16+$0xFFFFFFE0];
	_ =	sdelay $0x4  }
0x93: {  	v58 =	vshll.u32 v3, $0x1  }
0x94: {  	v3 =	vand.u32 $0x7, v3;
	v4 =	vand.u32 $0xFFFFFFF0, v58  }
0x95: {  	v3 =	vor.u32 v3, v4  }
0x96: {  	v4 =	vperm.xlane v3, v0;
	_ =	sdelay $0x1  }
0x97: {  	v3 =	vperm.xlane v3, v2;
	v4 =	vadd.s32 v1, v4;
	_ =	sdelay $0x1  }
0x98: {  	v3 =	vadd.s32 v1, v3;
	_ =	sdelay $0x2  }
0x99: {  	[tilespmem:s30], [sflag:$0x2] =	stream.indirect_vreg.gather [hbm4b:s3+s2], $0x80, v4, vm0, $0xb8;
	[tilespmem:$0x11000] =	vst v63  }
0x9a: {  	_ = 	snop  }
0x9b: {  	[tilespmem:s31], [sflag:$0x2] =	stream.indirect_vreg.gather [hbm4b:s3+s2], $0x80, v3, vm0, $0xb8;
	[tilespmem:$0x11000] =	vst v63  }
0x9c: {  	v3 =	vld [tilespmem:s16+$0xFFFFFFF0];
	_ =	sdelay $0x4  }
0x9d: {  	v59 =	vshll.u32 v3, $0x1  }
0x9e: {  	v3 =	vand.u32 $0x7, v3;
	v4 =	vand.u32 $0xFFFFFFF0, v59  }
0x9f: {  	v3 =	vor.u32 v3, v4  }
0xa0: {  	v4 =	vperm.xlane v3, v0;
	_ =	sdelay $0x1  }
0xa1: {  	v3 =	vperm.xlane v3, v2;
	v4 =	vadd.s32 v1, v4;
	_ =	sdelay $0x1  }
0xa2: {  	v3 =	vadd.s32 v1, v3;
	_ =	sdelay $0x2  }
0xa3: {  	[tilespmem:s0], [sflag:$0x2] =	stream.indirect_vreg.gather [hbm4b:s3+s2], $0x80, v4, vm0, $0xb8;
	[tilespmem:$0x11000] =	vst v63  }
0xa4: {  	_ = 	snop  }
0xa5: {  	[tilespmem:s1], [sflag:$0x2] =	stream.indirect_vreg.gather [hbm4b:s3+s2], $0x80, v3, vm0, $0xb8;
	[tilespmem:$0x11000] =	vst v63  }
0xa6: {  	v3 =	vld [tilespmem:s16+$0x0];
	_ =	sdelay $0x4  }
0xa7: {  	v60 =	vshll.u32 v3, $0x1  }
0xa8: {  	v3 =	vand.u32 $0x7, v3;
	v4 =	vand.u32 $0xFFFFFFF0, v60  }
0xa9: {  	v3 =	vor.u32 v3, v4  }
0xaa: {  	v4 =	vperm.xlane v3, v0;
	_ =	sdelay $0x1  }
0xab: {  	v3 =	vperm.xlane v3, v2;
	v4 =	vadd.s32 v1, v4;
	_ =	sdelay $0x1  }
0xac: {  	v3 =	vadd.s32 v1, v3;
	_ =	sdelay $0x2  }
0xad: {  	[tilespmem:s4], [sflag:$0x2] =	stream.indirect_vreg.gather [hbm4b:s3+s2], $0x80, v4, vm0, $0xb8;
	[tilespmem:$0x11000] =	vst v63  }
0xae: {  	_ = 	snop  }
0xaf: {  	[tilespmem:s5], [sflag:$0x2] =	stream.indirect_vreg.gather [hbm4b:s3+s2], $0x80, v3, vm0, $0xb8;
	[tilespmem:$0x11000] =	vst v63  }
0xb0: {  	v3 =	vld [tilespmem:s16+$0x10];
	_ =	sdelay $0x4  }
0xb1: {  	v61 =	vshll.u32 v3, $0x1  }
0xb2: {  	v3 =	vand.u32 $0x7, v3;
	v4 =	vand.u32 $0xFFFFFFF0, v61  }
0xb3: {  	v3 =	vor.u32 v3, v4  }
0xb4: {  	v4 =	vperm.xlane v3, v0;
	_ =	sdelay $0x1  }
0xb5: {  	v3 =	vperm.xlane v3, v2;
	v4 =	vadd.s32 v1, v4;
	_ =	sdelay $0x1  }
0xb6: {  	v3 =	vadd.s32 v1, v3;
	_ =	sdelay $0x2  }
0xb7: {  	[tilespmem:s9], [sflag:$0x2] =	stream.indirect_vreg.gather [hbm4b:s3+s2], $0x80, v4, vm0, $0xb8;
	[tilespmem:$0x11000] =	vst v63  }
0xb8: {  	_ = 	snop  }
0xb9: {  	[tilespmem:s10], [sflag:$0x2] =	stream.indirect_vreg.gather [hbm4b:s3+s2], $0x80, v3, vm0, $0xb8;
	[tilespmem:$0x11000] =	vst v63  }
0xba: {  	v3 =	vld [tilespmem:s16+$0x20];
	_ =	sdelay $0x4  }
0xbb: {  	v62 =	vshll.u32 v3, $0x1  }
0xbc: {  	v3 =	vand.u32 $0x7, v3;
	v4 =	vand.u32 $0xFFFFFFF0, v62  }
0xbd: {  	v3 =	vor.u32 v3, v4  }
0xbe: {  	v4 =	vperm.xlane v3, v0;
	_ =	sdelay $0x1  }
0xbf: {  	v3 =	vperm.xlane v3, v2;
	v4 =	vadd.s32 v1, v4;
	_ =	sdelay $0x1  }
0xc0: {  	v3 =	vadd.s32 v1, v3;
	_ =	sdelay $0x2  }
0xc1: {  	[tilespmem:s11], [sflag:$0x2] =	stream.indirect_vreg.gather [hbm4b:s3+s2], $0x80, v4, vm0, $0xb8;
	[tilespmem:$0x11000] =	vst v63  }
0xc2: {  	_ = 	snop  }
0xc3: {  	[tilespmem:s12], [sflag:$0x2] =	stream.indirect_vreg.gather [hbm4b:s3+s2], $0x80, v3, vm0, $0xb8;
	[tilespmem:$0x11000] =	vst v63  }
0xc4: {  	v3 =	vld [tilespmem:s16+$0x30];
	_ =	sdelay $0x4  }
0xc5: {  	v63 =	vshll.u32 v3, $0x1  }
0xc6: {  	v3 =	vand.u32 $0x7, v3;
	v4 =	vand.u32 $0xFFFFFFF0, v63  }
0xc7: {  	v3 =	vor.u32 v3, v4  }
0xc8: {  	v4 =	vperm.xlane v3, v0;
	_ =	sdelay $0x1  }
0xc9: {  	v3 =	vperm.xlane v3, v2;
	v4 =	vadd.s32 v1, v4;
	_ =	sdelay $0x1  }
0xca: {  	v3 =	vadd.s32 v1, v3;
	_ =	sdelay $0x2  }
0xcb: {  	[tilespmem:s13], [sflag:$0x2] =	stream.indirect_vreg.gather [hbm4b:s3+s2], $0x80, v4, vm0, $0xb8;
	[tilespmem:$0x11000] =	vst v63  }
0xcc: {  	_ = 	snop  }
0xcd: {  	[tilespmem:s14], [sflag:$0x2] =	stream.indirect_vreg.gather [hbm4b:s3+s2], $0x80, v3, vm0, $0xb8;
	[tilespmem:$0x11000] =	vst v63  }
0xce: {  	s18 =	sadd.s32 s17, s6  }
0xcf: {  	[hbm4b:s18+s2] =	stream.linear.scatter [tilespmem:s8], [sflag:$0x3], $0x8000, $0x38;
	[tilespmem:$0x11000] =	vst v63  }
0xd0: {  	p0 =	seq.s32 s17, $0x1E000;
	_ =	swait.ge [sflag:s7], $0x8000  }
.Ltmp4:
0xd1: {  	[sflag:s7] =	ssyncset.done $0x0;
	(pc) =	sbr.rel @p0 .LBB2_4-.Ltmp4, $4  }
0xd2: {  	[sflag:s7] =	ssyncadd.s32 $0xFFFF8000  }
0xd3: {  	_ =	swait.ge [sflag:s15], $0x8000  }
0xd4: {  	[sflag:s15] =	ssyncset.done $0x0  }
0xd5: {  	[sflag:s15] =	ssyncadd.s32 $0xFFFF8000  }
0xd6: {  	v3 =	vld [tilespmem:s16+$0x40];
	_ =	sdelay $0x4  }
0xd7: {  	v4 =	vshll.u32 v3, $0x1  }
0xd8: {  	v3 =	vand.u32 $0x7, v3;
	v4 =	vand.u32 $0xFFFFFFF0, v4  }
0xd9: {  	v3 =	vor.u32 v3, v4  }
0xda: {  	v4 =	vperm.xlane v3, v0;
	_ =	sdelay $0x1  }
0xdb: {  	v3 =	vperm.xlane v3, v2;
	v4 =	vadd.s32 v1, v4;
	_ =	sdelay $0x1  }
0xdc: {  	v3 =	vadd.s32 v1, v3;
	_ =	sdelay $0x2  }
0xdd: {  	[tilespmem:s8], [sflag:$0x1] =	stream.indirect_vreg.gather [hbm4b:s3+s2], $0x80, v4, vm0, $0xb8;
	[tilespmem:$0x11000] =	vst v63  }
0xde: {  	s19 =	simm.s32 $0x1800  }
0xdf: {  	[tilespmem:s19], [sflag:$0x1] =	stream.indirect_vreg.gather [hbm4b:s3+s2], $0x80, v3, vm0, $0xb8;
	[tilespmem:$0x11000] =	vst v63  }
0xe0: {  	v3 =	vld [tilespmem:s16+$0x50];
	_ =	sdelay $0x4  }
0xe1: {  	v57 =	vshll.u32 v3, $0x1  }
0xe2: {  	v3 =	vand.u32 $0x7, v3;
	v4 =	vand.u32 $0xFFFFFFF0, v57  }
0xe3: {  	v3 =	vor.u32 v3, v4  }
0xe4: {  	v4 =	vperm.xlane v3, v0;
	_ =	sdelay $0x1  }
0xe5: {  	v3 =	vperm.xlane v3, v2;
	v4 =	vadd.s32 v1, v4;
	_ =	sdelay $0x1  }
0xe6: {  	v3 =	vadd.s32 v1, v3;
	_ =	sdelay $0x1  }
0xe7: {  	s19 =	simm.s32 $0x2000  }
0xe8: {  	[tilespmem:s19], [sflag:$0x1] =	stream.indirect_vreg.gather [hbm4b:s3+s2], $0x80, v4, vm0, $0xb8;
	[tilespmem:$0x11000] =	vst v63  }
0xe9: {  	s19 =	simm.s32 $0x2800  }
0xea: {  	[tilespmem:s19], [sflag:$0x1] =	stream.indirect_vreg.gather [hbm4b:s3+s2], $0x80, v3, vm0, $0xb8;
	[tilespmem:$0x11000] =	vst v63  }
0xeb: {  	v3 =	vld [tilespmem:s16+$0x60];
	_ =	sdelay $0x4  }
0xec: {  	v58 =	vshll.u32 v3, $0x1  }
0xed: {  	v3 =	vand.u32 $0x7, v3;
	v4 =	vand.u32 $0xFFFFFFF0, v58  }
0xee: {  	v3 =	vor.u32 v3, v4  }
0xef: {  	v4 =	vperm.xlane v3, v0;
	_ =	sdelay $0x1  }
0xf0: {  	v3 =	vperm.xlane v3, v2;
	v4 =	vadd.s32 v1, v4;
	_ =	sdelay $0x1  }
0xf1: {  	v3 =	vadd.s32 v1, v3;
	_ =	sdelay $0x1  }
0xf2: {  	s19 =	simm.s32 $0x3000  }
0xf3: {  	[tilespmem:s19], [sflag:$0x1] =	stream.indirect_vreg.gather [hbm4b:s3+s2], $0x80, v4, vm0, $0xb8;
	[tilespmem:$0x11000] =	vst v63  }
0xf4: {  	s19 =	simm.s32 $0x3800  }
0xf5: {  	[tilespmem:s19], [sflag:$0x1] =	stream.indirect_vreg.gather [hbm4b:s3+s2], $0x80, v3, vm0, $0xb8;
	[tilespmem:$0x11000] =	vst v63  }
0xf6: {  	v3 =	vld [tilespmem:s16+$0x70];
	_ =	sdelay $0x4  }
0xf7: {  	v59 =	vshll.u32 v3, $0x1  }
0xf8: {  	v3 =	vand.u32 $0x7, v3;
	v4 =	vand.u32 $0xFFFFFFF0, v59  }
0xf9: {  	v3 =	vor.u32 v3, v4  }
0xfa: {  	v4 =	vperm.xlane v3, v0;
	_ =	sdelay $0x1  }
0xfb: {  	v3 =	vperm.xlane v3, v2;
	v4 =	vadd.s32 v1, v4;
	_ =	sdelay $0x1  }
0xfc: {  	v3 =	vadd.s32 v1, v3;
	_ =	sdelay $0x1  }
0xfd: {  	s19 =	simm.s32 $0x4000  }
0xfe: {  	[tilespmem:s19], [sflag:$0x1] =	stream.indirect_vreg.gather [hbm4b:s3+s2], $0x80, v4, vm0, $0xb8;
	[tilespmem:$0x11000] =	vst v63  }
0xff: {  	s19 =	simm.s32 $0x4800  }
0x100: {  	[tilespmem:s19], [sflag:$0x1] =	stream.indirect_vreg.gather [hbm4b:s3+s2], $0x80, v3, vm0, $0xb8;
	[tilespmem:$0x11000] =	vst v63  }
0x101: {  	v3 =	vld [tilespmem:s16+$0x80];
	_ =	sdelay $0x4  }
0x102: {  	v60 =	vshll.u32 v3, $0x1  }
0x103: {  	v3 =	vand.u32 $0x7, v3;
	v4 =	vand.u32 $0xFFFFFFF0, v60  }
0x104: {  	v3 =	vor.u32 v3, v4  }
0x105: {  	v4 =	vperm.xlane v3, v0;
	_ =	sdelay $0x1  }
0x106: {  	v3 =	vperm.xlane v3, v2;
	v4 =	vadd.s32 v1, v4;
	_ =	sdelay $0x1  }
0x107: {  	v3 =	vadd.s32 v1, v3;
	_ =	sdelay $0x1  }
0x108: {  	s19 =	simm.s32 $0x5000  }
0x109: {  	[tilespmem:s19], [sflag:$0x1] =	stream.indirect_vreg.gather [hbm4b:s3+s2], $0x80, v4, vm0, $0xb8;
	[tilespmem:$0x11000] =	vst v63  }
0x10a: {  	s19 =	simm.s32 $0x5800  }
0x10b: {  	[tilespmem:s19], [sflag:$0x1] =	stream.indirect_vreg.gather [hbm4b:s3+s2], $0x80, v3, vm0, $0xb8;
	[tilespmem:$0x11000] =	vst v63  }
0x10c: {  	v3 =	vld [tilespmem:s16+$0x90];
	_ =	sdelay $0x4  }
0x10d: {  	v61 =	vshll.u32 v3, $0x1  }
0x10e: {  	v3 =	vand.u32 $0x7, v3;
	v4 =	vand.u32 $0xFFFFFFF0, v61  }
0x10f: {  	v3 =	vor.u32 v3, v4  }
0x110: {  	v4 =	vperm.xlane v3, v0;
	_ =	sdelay $0x1  }
0x111: {  	v3 =	vperm.xlane v3, v2;
	v4 =	vadd.s32 v1, v4;
	_ =	sdelay $0x1  }
0x112: {  	v3 =	vadd.s32 v1, v3;
	_ =	sdelay $0x1  }
0x113: {  	s19 =	simm.s32 $0x6000  }
0x114: {  	[tilespmem:s19], [sflag:$0x1] =	stream.indirect_vreg.gather [hbm4b:s3+s2], $0x80, v4, vm0, $0xb8;
	[tilespmem:$0x11000] =	vst v63  }
0x115: {  	s19 =	simm.s32 $0x6800  }
0x116: {  	[tilespmem:s19], [sflag:$0x1] =	stream.indirect_vreg.gather [hbm4b:s3+s2], $0x80, v3, vm0, $0xb8;
	[tilespmem:$0x11000] =	vst v63  }
0x117: {  	v3 =	vld [tilespmem:s16+$0xA0];
	_ =	sdelay $0x4  }
0x118: {  	v62 =	vshll.u32 v3, $0x1  }
0x119: {  	v3 =	vand.u32 $0x7, v3;
	v4 =	vand.u32 $0xFFFFFFF0, v62  }
0x11a: {  	v3 =	vor.u32 v3, v4  }
0x11b: {  	v4 =	vperm.xlane v3, v0;
	_ =	sdelay $0x1  }
0x11c: {  	v3 =	vperm.xlane v3, v2;
	v4 =	vadd.s32 v1, v4;
	_ =	sdelay $0x1  }
0x11d: {  	v3 =	vadd.s32 v1, v3;
	_ =	sdelay $0x2  }
0x11e: {  	[tilespmem:s20], [sflag:$0x1] =	stream.indirect_vreg.gather [hbm4b:s3+s2], $0x80, v4, vm0, $0xb8;
	[tilespmem:$0x11000] =	vst v63  }
0x11f: {  	_ = 	snop  }
0x120: {  	[tilespmem:s21], [sflag:$0x1] =	stream.indirect_vreg.gather [hbm4b:s3+s2], $0x80, v3, vm0, $0xb8;
	[tilespmem:$0x11000] =	vst v63  }
0x121: {  	v3 =	vld [tilespmem:s16+$0xB0];
	_ =	sdelay $0x4  }
0x122: {  	v63 =	vshll.u32 v3, $0x1  }
0x123: {  	v3 =	vand.u32 $0x7, v3;
	v4 =	vand.u32 $0xFFFFFFF0, v63  }
0x124: {  	v3 =	vor.u32 v3, v4  }
0x125: {  	v4 =	vperm.xlane v3, v0;
	_ =	sdelay $0x1  }
0x126: {  	v3 =	vperm.xlane v3, v2;
	v4 =	vadd.s32 v1, v4;
	_ =	sdelay $0x1  }
0x127: {  	v3 =	vadd.s32 v1, v3  }
.Ltmp5:
0x128: {  	_ = 	snop;
	(pc) =	sbr.rel .LBB2_4-.Ltmp5, $4  }
0x129: {  	_ = 	snop  }
0x12a: {  	[tilespmem:s22], [sflag:$0x1] =	stream.indirect_vreg.gather [hbm4b:s3+s2], $0x80, v4, vm0, $0xb8;
	[tilespmem:$0x11000] =	vst v63  }
0x12b: {  	_ = 	snop  }
0x12c: {  	[tilespmem:s23], [sflag:$0x1] =	stream.indirect_vreg.gather [hbm4b:s3+s2], $0x80, v3, vm0, $0xb8;
	[tilespmem:$0x11000] =	vst v63  }
.LBB2_6:
0x12d: {  	_ =	sfence.sel $0x180000  }
0x12e: {  	[bflag:$0x0] =	sbarrier.arrive $0xFFFF  }
0x12f: {  	_ =	strace $0x9000004A  }
0x130: {  	s0 =	stileid.u32;
	[bflag:$0x2] =	sbarrier.arrive $0xFFFF  }
0x131: {  	p0 =	sne.s32 s0, $0x0;
	s0 =	rddreg [dreg:$0x1]  }
0x132: {  	s0 =	sadd.s32 @!p0 $0x100000, s0  }
0x133: {  	[sflag:s0] =	ssyncadd.tile.s32 @!p0 $0x1;
	_ =	shalt  }
.Lfunc_end2:
_tile_overlayer_lowered:
.L_overlay_start_2:
0x134: {  	(tag) =	ssettag $0x2  }
0x135: {  	s0 =	rddreg [dreg:$0x0];
	s2 =	stileid.u32  }
0x136: {  	s1 =	rddreg [dreg:$0x1];
	p0 =	sne.s32 s2, $0x0  }
0x137: {  	s3 =	rddreg [dreg:$0x2];
	[bflag:$0x3] =	sbarrier.arrive $0xFFFF;
	s2 =	simm.s32 @!p0 $0x1C03  }
0x138: {  	[timem:s3], [sflag:s2] =	dma.local @!p0 [hbm:s0], s1  }
0x139: {  	s0 =	simm.s32 @!p0 $0x3  }
0x13a: {  	_ =	swait.ge @!p0 [sflag:s0], s1  }
0x13b: {  	s1 =	ssub.s32 @!p0 $0x0, s1;
	[sflag:s0] =	ssyncset.done @!p0 $0x0  }
0x13c: {  	[sflag:s0] =	ssyncadd.s32 @!p0 s1  }
0x13d: {  	[bflag:$0x3] =	sbarrier.arrive $0xFFFF  }
0x13e: {  	_ =	shalt  }

// kernel: sparse-core-data-format-call.cloned.1.call-start
scs
called_computation_lowered:
.L_overlay_start_0:
0x0: {  	s1 =	sld [smem:$0x3FD9]  }
0x1: {  	s2 =	sld [smem:$0x3FFE];
	_ =	sdelay $0x1  }
0x2: {  	s3 =	srdreg.scid  }
0x3: {  	s0 =	sand.u32 $0x1, s3  }
0x4: {  	s17 =	sshll.u32 s0, $0xA;
	s1 =	sadd.s32 s2, s1  }
0x5: {  	s1 =	sadd.s32 s1, s17  }
0x6: {  	[smem:$0x3FB6] =	sst s1  }
0x7: {  	_ = 	snop  }
0x8: {  	(tm) =	ssettm $0x1  }
0x9: {  	s18 =	sld [smem:$0x3FFB];
	_ =	sdelay $0x3  }
0xa: {  	_ =	strace s18  }
0xb: {  	s1 =	sld [smem:$0x3FFC];
	_ =	sdelay $0x3  }
0xc: {  	_ =	strace s1  }
0xd: {  	s1 =	sld [smem:$0x3FFD];
	_ =	sdelay $0x3  }
0xe: {  	_ =	strace s1  }
0xf: {  	_ =	strace $0x8FFFFFFF  }
0x10: {  	s19 =	sld [smem:$0x3FDB];
	_ =	sdelay $0x1  }
0x11: {  	s20 =	simm.s32 $_scs_section_size  }
0x12: {  	s4 =	simm.s32 $_size__tile_overlayer_lowered;
	s5 =	simm.s32 $_tile_overlayer_lowered  }
0x13: {  	s23 =	simm.s32 $0x1BFF;
	s22 =	sshll.u32 s5, $0x1;
	s1 =	sadd.s32 s20, s19  }
0x14: {  	s6 =	simm.s32 $0x0;
	s21 =	sshll.u32 s4, $0x1;
	s4 =	sadd.s32 s22, s1  }
0x15: {  	[timem:s6], [sflag:s23] =	dma.local [hbm:s4], s21  }
0x16: {  	_ =	swait.ge [sflag:s23], s21  }
0x17: {  	s2 =	ssub.s32 $0x0, s21;
	[sflag:s23] =	ssyncset.done $0x0  }
0x18: {  	[sflag:s23] =	ssyncadd.s32 s2;
	_ =	sdelay $0x1  }
0x19: {  	s24 =	simm.s32 $0x1B8B  }
0x1a: {  	_ =	swait.ge [sflag:s24], $0x1  }
0x1b: {  	[sflag:s24] =	ssyncset.done $0x0  }
0x1c: {  	s26 =	simm.s32 $0x1B8E;
	s25 =	sld [smem:$0x3FFE];
	[sflag:s24] =	ssyncadd.s32 $0xFFFFFFFF  }
0x1d: {  	s27 =	simm.s32 $execute0_lowered;
	[smem:$0x3FD2] =	sst s26  }
0x1e: {  	s4 =	sshll.u32 s27, $0x1;
	_ =	strace $0x80000046;
	[dreg:$0x1] =	wrdreg $0xFFFFFFFF  }
0x1f: {  	s28 =	simm.s32 $_size_execute0_lowered;
	s1 =	sadd.s32 s1, s4;
	[dreg:$0x0] =	wrdreg $0x0  }
0x20: {  	s4 =	sshll.u32 s28, $0x1;
	[dreg:$0x2] =	wrdreg s1  }
0x21: {  	[dreg:$0x3] =	wrdreg s4  }
0x22: {  	[dreg:$0x4] =	wrdreg $0xC0  }
0x23: {  	_ =	task [dreg:s6], $0x5FFFF  }
0x24: {  	[dreg:$0x1] =	wrdreg $0xFFFFFFFF  }
0x25: {  	[dreg:$0x0] =	wrdreg $0x60  }
0x26: {  	[dreg:$0x2] =	wrdreg s25  }
0x27: {  	[dreg:$0x3] =	wrdreg $0x9  }
0x28: {  	_ =	task.clear_ibuf [dreg:s6], $0x4FFFF;
	_ =	strace $0x90000046  }
0x29: {  	s29 =	simm.s32 $0x9;
	_ =	strace $0x80000048  }
0x2a: {  	_ =	swait.ge [sflag:s29], $0x1  }
0x2b: {  	[sflag:s29] =	ssyncadd.s32 $0xFFFFFFFF  }
0x2c: {  	_ =	strace $0x90000048  }
0x2d: {  	_ =	sfence  }
0x2e: {  	s30 =	sld [smem:$0x0];
	_ =	sdelay $0x2  }
0x2f: {  	s31 =	sshll.u32 s3, $0xD;
	s3 =	sshrl.u32 s3, $0x2  }
0x30: {  	s2 =	sand.u32 $0x4000, s31;
	s1 =	sadd.s32 s3, s30  }
0x31: {  	s0 =	sor.u32 s2, s0;
	s1 =	sshll.u32 s1, $0x11  }
0x32: {  	s0 =	sor.u32 s1, s0  }
0x33: {  	s0 =	sadd.s32 $0x8F2B, s0  }
0x34: {  	[sflag:s0] =	ssyncadd.remote.s32 $0x1  }
0x35: {  	_ =	sfence.sel $0xFFFF  }
0x36: {  	[dreg:$0x0] =	wrdreg $0xFFFFFFFF;
	(pc) =	sbr.abs _section_cstart, $3  }
0x37: {  	[dreg:$0x1] =	wrdreg $0xFFFFFFFF  }
0x38: {  	_ =	task.clear_ibuf [dreg:s6], $0x2FFFF;
	_ =	strace $0x9FFFFFFF  }
0x39: {  	(tm) =	ssettm $0x7FFFFFFF  }
tec
execute0_lowered:
.L_overlay_start_1:
0x0: {  	(tag) =	ssettag $0x1  }
0x1: {  	s0 =	srdreg.scid;
	s3 =	rddreg [dreg:$0x0];
	s5 =	simm.s32 $0x1  }
0x2: {  	s7 =	simm.s32 $0x2;
	s15 =	simm.s32 $0x0;
	p0 =	por $0x0, $0x0  }
0x3: {  	s8 =	simm.s32 $0x800;
	s13 =	simm.s32 $0x0;
	s1 =	sshll.u32 s0, $0x7  }
0x4: {  	s14 =	simm.s32 $0x0;
	s9 =	simm.s32 $0x0;
	s1 =	sand.u32 $0x80, s1  }
0x5: {  	s0 =	rddreg [dreg:$0x1];
	_ =	strace $0x80000047;
	s6 =	ssub.s32 $0x100, s1  }
.Ltmp0:
0x6: {  	s2 =	sadd.s32 $0x4C00, s3;
	s31 =	sshrl.u32 s6, $0x7;
	(pc) =	sbr.rel .LBB1_1-.Ltmp0, $4  }
0x7: {  	s4 =	sadd.s32 $0x104C00, s3;
	s6 =	sshrl.u32 s6, $0x8;
	s3 =	sand.u32 $0x1, s31  }
0x8: {  	s11 =	stileid.u32;
	[sflag:s5] =	ssyncpa.u1 $0x0;
	s6 =	sadd.s32 s6, s3  }
0x9: {  	s12 =	simm.s32 $0x0;
	[sflag:s7] =	ssyncpa.u1 $0x0;
	s6 =	sshll.u32 s6, $0x4  }
0xa: {  	s10 =	smov.u32 s1;
	s3 =	stileid.u32;
	s7 =	sor.u32 $0x1, s6  }
.LBB1_4:
0xb: {  	v5 =	vld [tilespmem:s18+$0xFFFFFFD0];
	[tilespmem:s19+$0x2040 ss:$0x81] =	vst.msk $0xffff, v1  }
0xc: {  	v58 =	vld [tilespmem:s18+$0xFFFFFFE0];
	[tilespmem:s19+$0x2850 ss:$0x81] =	vst.msk $0xffff, v2  }
0xd: {  	s20 =	sshra.s32 s20, $0x2;
	v59 =	vld [tilespmem:s18+$0xFFFFFFF0];
	[tilespmem:s19+$0x3060 ss:$0x81] =	vst.msk $0xffff, v3  }
0xe: {  	v60 =	vld [tilespmem:s18+$0x0];
	[tilespmem:s19+$0x0 ss:$0x81] =	vst.msk $0xffff, v0;
	s17 =	sadd.s32 s20, s17  }
0xf: {  	v61 =	vld [tilespmem:s18+$0x10];
	s25 =	sshll.u32 s15, $0x8;
	[tilespmem:s17+$0x3870 ss:$0x81] =	vst.msk $0xffff, v4  }
0x10: {  	s26 =	sshll.u32 s13, $0x3;
	v62 =	vld [tilespmem:s18+$0x20];
	s27 =	sshll.u32 s15, $0x7;
	s30 =	sand.u32 $0x78, s13;
	[tilespmem:s17+$0x810 ss:$0x81] =	vst.msk $0xffff, v5  }
0x11: {  	v63 =	vld [tilespmem:s18+$0xFFFFFFC0];
	s14 =	sshll.u32 s14, $0x10;
	s19 =	sand.u32 $0x7F800, s25;
	s20 =	sand.u32 $0x7FC00, s26;
	[tilespmem:s17+$0x1020 ss:$0x81] =	vst.msk $0xffff, v58  }
0x12: {  	s29 =	sand.u32 $0x300, s27;
	s15 =	sand.u32 $0x80, s27;
	s28 =	sadd.s32 s20, s19;
	[tilespmem:s17+$0x1830 ss:$0x81] =	vst.msk $0xffff, v59  }
0x13: {  	s31 =	sand.u32 $0x7, s13;
	s15 =	sor.u32 s30, s15;
	s18 =	sor.u32 s29, s28;
	[tilespmem:s17+$0x2040 ss:$0x81] =	vst.msk $0xffff, v60  }
0x14: {  	s14 =	sadd.s32 s4, s14;
	s15 =	sshrl.u32 s15, $0x3;
	s18 =	sshrl.u32 s18, $0x3;
	[tilespmem:s17+$0x2850 ss:$0x81] =	vst.msk $0xffff, v61  }
0x15: {  	s13 =	sshll.u32 s31, $0x12;
	s14 =	sadd.s32 s15, s14;
	[tilespmem:s17+$0x3060 ss:$0x81] =	vst.msk $0xffff, v62;
	s18 =	sand.u32 $0xFFE0, s18  }
0x16: {  	s13 =	sor.u32 $0x400, s13;
	[tilespmem:s17+$0x0 ss:$0x81] =	vst.msk $0xffff, v63;
	s14 =	sadd.s32 s18, s14  }
0x17: {  	[hbm4b:s14+s13] =	stream.strided.scatter [tilespmem:s16], [sflag:$0x2], $0x4000, s8, s13, $0x20;
	[tilespmem:$0x10100] =	vst v63  }
.LBB1_5:
0x18: {  	s16 =	sadd.s32 $0x80, s9  }
0x19: {  	s13 =	sadd.s32 $0x100, s10;
	s17 =	smov.u32 s10;
	p2 =	sgt.s32 s16, $0x7FF  }
0x1a: {  	s17 =	smov.u32 @p2 s13  }
0x1b: {  	s19 =	smov.u32 s11;
	s13 =	sadd.s32 $0x10, s11;
	p3 =	sgt.s32 s17, $0xFF  }
0x1c: {  	s19 =	smov.u32 @p3 s13  }
0x1d: {  	s16 =	simm.s32 @p2 $0x0;
	p2 =	sgt.s32 s19, $0xF  }
0x1e: {  	p1 =	slt.u32 s12, $0x2;
	s19 =	smov.u32 @p2 s3;
	p2 =	sne.s32 s12, s7  }
.Ltmp1:
0x1f: {  	s18 =	simm.s32 @!p1 $0x2;
	(pc) =	sbr.rel @!p2 .LBB1_6-.Ltmp1, $4  }
0x20: {  	s15 =	smov.u32 s9;
	s14 =	smov.u32 s11;
	_ =	swait.ge @!p1 [sflag:s18], $0x4000  }
0x21: {  	p0 =	por !p0, !p0;
	[sflag:s18] =	ssyncset.done @!p1 $0x0;
	s9 =	smov.u32 s16  }
0x22: {  	s17 =	smov.u32 @p3 s1;
	s13 =	smov.u32 s10;
	[sflag:s18] =	ssyncadd.s32 @!p1 $0xFFFFC000  }
0x23: {  	s10 =	smov.u32 s17;
	s12 =	sadd.s32 $0x1, s12;
	s11 =	smov.u32 s19  }
.LBB1_1:
0x24: {  	p1 =	sge.u32 s12, s6;
	s31 =	sadd.s32 $0xFFFFFFFF, s12  }
0x25: {  	s16 =	sxor.u32 @!p1 $0xFFFFFFFF, s12;
	s17 =	sand.u32 @!p1 $0x78, s9;
	s18 =	sshll.u32 @!p1 s10, $0xB  }
0x26: {  	s19 =	sshll.u32 @!p1 s10, $0x7;
	s20 =	sshll.u32 @!p1 s9, $0x3;
	s16 =	sshll.u32 @!p1 s16, $0xE  }
0x27: {  	s18 =	sand.u32 @!p1 $0x7C000, s18;
	s19 =	sand.u32 @!p1 $0x380, s19;
	s16 =	sand.u32 @!p1 $0x4000, s16  }
0x28: {  	s18 =	sadd.s32 @!p1 s18, s20;
	s20 =	sand.u32 @!p1 $0x400, s20;
	s17 =	sor.u32 @!p1 s19, s17  }
0x29: {  	s19 =	sshll.u32 @!p1 s11, $0x10;
	s17 =	sor.u32 @!p1 s20, s17;
	s18 =	sshrl.u32 @!p1 s18, $0x3  }
0x2a: {  	s19 =	sadd.s32 @!p1 s2, s19;
	s20 =	sand.u32 @!p1 $0x7, s9;
	s18 =	sand.u32 @!p1 $0xFF00, s18  }
0x2b: {  	s17 =	sshrl.u32 @!p1 s17, $0x3;
	s18 =	sadd.s32 @!p1 s18, s19;
	s19 =	sshll.u32 @!p1 s20, $0x12  }
0x2c: {  	s17 =	sadd.s32 @!p1 s17, s18;
	s18 =	sor.u32 @!p1 $0x400, s19;
	s19 =	simm.s32 @!p1 $0x4000  }
0x2d: {  	[tilespmem:s16], [sflag:$0x1] =	stream.strided.gather @!p1 [hbm4b:s17+s18], $0x4000, s19, s18, $0x38;
	[tilespmem:$0x10100] =	vst v63  }
0x2e: {  	p1 =	sge.u32 s31, s6  }
.Ltmp2:
0x2f: {  	_ = 	snop;
	(pc) =	sbr.rel @p1 .LBB1_5-.Ltmp2, $1  }
0x30: {  	_ =	sdelay $0x3  }
0x31: {  	s16 =	simm.s32 $0x1  }
0x32: {  	_ =	swait.ge [sflag:s5], $0x4000;
	s16 =	simm.s32 @!p0 $0x0  }
0x33: {  	[sflag:s5] =	ssyncset.done $0x0;
	s17 =	sshll.u32 s16, $0xE  }
0x34: {  	[sflag:s5] =	ssyncadd.s32 $0xFFFFC000;
	s18 =	sor.u32 $0x40, s17  }
0x35: {  	s16 =	smul.u32 $0x10200, s16;
	v0 =	vld [tilespmem:s18+$0x30]  }
0x36: {  	v3 =	vld [tilespmem:s18+$0xFFFFFFD0]  }
0x37: {  	s16 =	sshrl.u32 s16, $0x2;
	v4 =	vld [tilespmem:s18+$0xFFFFFFE0]  }
0x38: {  	v5 =	vld [tilespmem:s18+$0xFFFFFFF0];
	s17 =	sor.u32 $0x8000, s16  }
0x39: {  	s31 =	sand.u32 $0x1, s12;
	v1 =	vld [tilespmem:s18+$0x0];
	s19 =	sadd.s32 $0x0, s17  }
0x3a: {  	v2 =	vld [tilespmem:s18+$0x10];
	s16 =	smul.u32 $0x10200, s31;
	[tilespmem:s19+$0x3870 ss:$0x81] =	vst.msk $0xffff, v0  }
0x3b: {  	[tilespmem:s19+$0x810 ss:$0x81] =	vst.msk $0xffff, v3;
	v3 =	vld [tilespmem:s18+$0x20]  }
0x3c: {  	s16 =	sshrl.u32 s16, $0x2;
	v0 =	vld [tilespmem:s18+$0xFFFFFFC0];
	[tilespmem:s19+$0x1020 ss:$0x81] =	vst.msk $0xffff, v4;
	s18 =	sadd.s32 $0x80, s18  }
0x3d: {  	s20 =	simm.s32 $0x4;
	s21 =	simm.s32 $0x8;
	s16 =	sor.u32 $0x8000, s16;
	[tilespmem:s19+$0x1830 ss:$0x81] =	vst.msk $0xffff, v5;
	v4 =	vld [tilespmem:s18+$0x30]  }
.LBB1_3:
0x3e: {  	p1 =	sne.s32 s21, $0x1FC;
	v5 =	vld [tilespmem:s18+$0xFFFFFFD0];
	[tilespmem:s19+$0x2040 ss:$0x81] =	vst.msk $0xffff, v1  }
0x3f: {  	v6 =	vld [tilespmem:s18+$0xFFFFFFE0];
	[tilespmem:s19+$0x2850 ss:$0x81] =	vst.msk $0xffff, v2  }
0x40: {  	s22 =	sshra.s32 s20, $0x2;
	s20 =	smov.u32 s21;
	v7 =	vld [tilespmem:s18+$0xFFFFFFF0];
	[tilespmem:s19+$0x3060 ss:$0x81] =	vst.msk $0xffff, v3  }
.Ltmp3:
0x41: {  	v1 =	vld [tilespmem:s18+$0x0];
	[tilespmem:s19+$0x0 ss:$0x81] =	vst.msk $0xffff, v0;
	s19 =	sadd.s32 s22, s17;
	(pc) =	sbr.rel @p1 .LBB1_3-.Ltmp3, $4  }
0x42: {  	v2 =	vld [tilespmem:s18+$0x10];
	[tilespmem:s19+$0x3870 ss:$0x81] =	vst.msk $0xffff, v4  }
0x43: {  	[tilespmem:s19+$0x810 ss:$0x81] =	vst.msk $0xffff, v5;
	v3 =	vld [tilespmem:s18+$0x20]  }
0x44: {  	v0 =	vld [tilespmem:s18+$0xFFFFFFC0];
	[tilespmem:s19+$0x1020 ss:$0x81] =	vst.msk $0xffff, v6;
	s18 =	sadd.s32 $0x80, s18  }
0x45: {  	s21 =	sadd.s32 $0x4, s21;
	v4 =	vld [tilespmem:s18+$0x30];
	[tilespmem:s19+$0x1830 ss:$0x81] =	vst.msk $0xffff, v7  }
.Ltmp4:
0x46: {  	_ = 	snop;
	(pc) =	sbr.rel .LBB1_4-.Ltmp4, $1  }
0x47: {  	_ =	sdelay $0x3  }
.LBB1_6:
0x48: {  	_ =	sfence.sel $0x180000  }
0x49: {  	s1 =	simm.s32 $0x1;
	[bflag:$0x0] =	sbarrier.arrive $0xFFFF  }
0x4a: {  	s31 =	simm.s32 $0x2;
	[sflag:s1] =	ssyncpa.u1 $0x1  }
0x4b: {  	[sflag:s31] =	ssyncpa.u1 $0x1  }
0x4c: {  	p0 =	sne.s32 s3, $0x0;
	_ =	strace $0x90000047  }
0x4d: {  	s0 =	sadd.s32 @!p0 $0x100000, s0;
	[bflag:$0x2] =	sbarrier.arrive $0xFFFF  }
0x4e: {  	[sflag:s0] =	ssyncadd.tile.s32 @!p0 $0x1;
	_ =	shalt  }
.Lfunc_end1:
_tile_overlayer_lowered:
.L_overlay_start_2:
0x4f: {  	(tag) =	ssettag $0x2  }
0x50: {  	s0 =	rddreg [dreg:$0x0];
	s2 =	stileid.u32  }
0x51: {  	s1 =	rddreg [dreg:$0x1];
	p0 =	sne.s32 s2, $0x0  }
0x52: {  	s3 =	rddreg [dreg:$0x2];
	[bflag:$0x3] =	sbarrier.arrive $0xFFFF;
	s2 =	simm.s32 @!p0 $0x1C01  }
0x53: {  	[timem:s3], [sflag:s2] =	dma.local @!p0 [hbm:s0], s1  }
0x54: {  	s0 =	simm.s32 @!p0 $0x1  }
0x55: {  	_ =	swait.ge @!p0 [sflag:s0], s1  }
0x56: {  	s1 =	ssub.s32 @!p0 $0x0, s1;
	[sflag:s0] =	ssyncset.done @!p0 $0x0  }
0x57: {  	[sflag:s0] =	ssyncadd.s32 @!p0 s1  }
0x58: {  	[bflag:$0x3] =	sbarrier.arrive $0xFFFF  }
0x59: {  	_ =	shalt  }

</sc_bundles>
